<compile_context>
chip_gen: v7x
topology: tpu7x:2x2x1
jax: 0.10.2.dev20260603
libtpu: 0.0.44.dev20260713+nightly
codegen_flags: <defaults>
</compile_context>

<pallas_src>
import functools

import jax
import jax.numpy as jnp
from jax import lax
from jax.experimental import pallas as pl
from jax.experimental.pallas import tpu as pltpu
from jax.experimental.pallas import tpu_sc as plsc

NC, NS = 2, 16
NW = NC * NS
D = 32
CHUNK = 1600
VB = 6400
BC = 16384


def _pack_table(tT):
    V = tT.shape[1]
    n_blocks = pl.cdiv(V, VB)

    def body(in_ref, out_ref):
        x = in_ref[...]
        z = jnp.transpose(x, (1, 0))
        w = z.reshape(VB // 4, 4, D)
        out_ref[...] = jnp.concatenate([w[:, j, :] for j in range(4)], axis=1)

    return pl.pallas_call(
        body,
        grid=(n_blocks,),
        in_specs=[pl.BlockSpec((D, VB), lambda i: (0, i))],
        out_specs=pl.BlockSpec((VB * D // 128, 128), lambda i: (i, 0)),
        out_shape=jax.ShapeDtypeStruct((V * D // 128, 128), jnp.float32),
    )(tT)


def _unpack_out(out_sc, H, Bc):
    q = Bc // 4
    r128 = Bc * D // 128
    x3 = out_sc.reshape(H, r128, 128)

    def body(in_ref, out_ref):
        x = in_ref[0]
        t = jnp.transpose(x, (1, 0))
        u = t.reshape(4, D, q)
        out_ref[0] = jnp.concatenate([u[j] for j in range(4)], axis=1)

    return pl.pallas_call(
        body,
        grid=(H,),
        in_specs=[pl.BlockSpec((1, r128, 128), lambda i: (i, 0, 0))],
        out_specs=pl.BlockSpec((1, D, Bc), lambda i: (i, 0, 0)),
        out_shape=jax.ShapeDtypeStruct((H, D, Bc), jnp.float32),
    )(x3)


@functools.cache
def _emb_kernel(B):
    b_per_w = B // NW
    n_chunks = b_per_w // CHUNK
    n_pairs = n_chunks // 2
    mesh = plsc.VectorSubcoreMesh(core_axis_name="c", subcore_axis_name="s")

    @functools.partial(
        pl.kernel,
        out_type=jax.ShapeDtypeStruct((B, D), jnp.float32),
        mesh=mesh,
        scratch_types=[
            pltpu.VMEM((2, CHUNK), jnp.int32),
            pltpu.VMEM((2, CHUNK, D), jnp.float32),
            pltpu.SemaphoreType.DMA,
            pltpu.SemaphoreType.DMA,
            pltpu.SemaphoreType.DMA,
            pltpu.SemaphoreType.DMA,
        ],
        compiler_params=pltpu.CompilerParams(use_tc_tiling_on_sc=False),
    )
    def emb(idx_hbm, table_hbm, out_hbm, idx_v, rows_v, g0, g1, s0, s1):
        wid = lax.axis_index("s") * NC + lax.axis_index("c")
        base = wid * b_per_w
        last = n_chunks - 1

        def idx_load(buf, c):
            off = base + lax.min(c, last) * CHUNK
            pltpu.sync_copy(idx_hbm.at[pl.ds(off, CHUNK)], idx_v.at[buf])

        def gather_start(buf, sem):
            return pltpu.async_copy(table_hbm.at[idx_v.at[buf]], rows_v.at[buf], sem)

        def gather_wait(buf, sem):
            pltpu.make_async_copy(table_hbm.at[idx_v.at[buf]], rows_v.at[buf], sem).wait()

        def store_start(buf, c, sem):
            off = base + c * CHUNK
            return pltpu.async_copy(rows_v.at[buf], out_hbm.at[pl.ds(off, CHUNK)], sem)

        def store_wait(buf, sem):
            pltpu.make_async_copy(
                rows_v.at[buf], out_hbm.at[pl.ds(base, CHUNK)], sem
            ).wait()

        idx_load(0, 0)
        gather_start(0, g0)
        idx_load(1, 1)

        def body(p, carry):
            c0 = 2 * p
            c1 = c0 + 1
            gather_wait(0, g0)
            store_start(0, c0, s0)

            @pl.when(p > 0)
            def _():
                store_wait(1, s1)

            gather_start(1, g1)
            idx_load(0, c0 + 2)
            gather_wait(1, g1)
            store_start(1, c1, s1)
            store_wait(0, s0)

            @pl.when(p < n_pairs - 1)
            def _():
                gather_start(0, g0)

            idx_load(1, c1 + 2)
            return carry

        lax.fori_loop(0, n_pairs, body, 0)
        store_wait(1, s1)

    return emb


def kernel(tensor, table):
    nb, nh = tensor.shape
    B = nb * nh
    V = table.shape[0]
    r = jnp.arange(B, dtype=jnp.int32)
    perm = (r & ~jnp.int32(BC - 1)) | ((r & 3) * (BC // 4)) | ((r & (BC - 1)) >> 2)
    idx = jnp.take(tensor.T.astype(jnp.int32).reshape(B), perm)
    packed = _pack_table(table.T)
    table_lin = packed.reshape(V, D)
    out_sc = _emb_kernel(B)(idx, table_lin)
    out_hdb = _unpack_out(out_sc, nh, nb)
    return jnp.transpose(out_hdb, (2, 0, 1))

# --- scband reference (transcript-rebuilt; emitter-appended) ---
"""Pipeline reference for scband-pretrained-embedding-49194555408537 (READ-ONLY COPY).

The authoritative reference and input builder live on the scoring server;
editing this copy changes nothing except your own understanding.
"""

import jax, jax.numpy as jnp
import numpy as np

VOCAB = 1000000
EMBED_DIM = 32
BATCH = 16384
HIST = 200

def setup_inputs(seed: int = 0) -> dict:
    key = jax.random.key(seed)
    k_tab, k_idx = jax.random.split(key)
    # Pretrained embedding table (nn.Embedding.from_pretrained keeps rows as-is,
    # including the padding_idx row; padding_idx only affects gradients).
    table = jax.random.normal(k_tab, (VOCAB, EMBED_DIM), dtype=jnp.float32)
    indices = jax.random.randint(k_idx, (BATCH, HIST), 0, VOCAB, dtype=jnp.int64 if jax.config.jax_enable_x64 else jnp.int32)
    return {"tensor": indices, "table": table}

def reference(tensor, table):
    # Faithful translation of PretrainedEmbedding.forward: a plain gather.
    return jnp.take(table, tensor, axis=0)

if __name__ == "__main__":
    import jax
    _d = setup_inputs()
    print(jax.jit(kernel)(*tuple(_d.values())))

</pallas_src>

<mosaic_0001>
#map = affine_map<(d0, d1) -> (0)>
#map1 = affine_map<(d0, d1) -> (0, 0)>
module attributes {stable_mosaic.version = 14 : i64} {
  func.func @emb(%arg0: i32, %arg1: i32, %arg2: memref<3276800xi32, #tpu.memory_space<hbm>>, %arg3: memref<1000000x32xf32, #tpu.memory_space<hbm>>, %arg4: memref<3276800x32xf32, #tpu.memory_space<hbm>>, %arg5: memref<2x1600xi32, #tpu.memory_space<vmem>>, %arg6: memref<2x1600x32xf32, #tpu.memory_space<vmem>>, %arg7: memref<!tpu.dma_semaphore, #tpu.memory_space<semaphore_mem>>, %arg8: memref<!tpu.dma_semaphore, #tpu.memory_space<semaphore_mem>>, %arg9: memref<!tpu.dma_semaphore, #tpu.memory_space<semaphore_mem>>, %arg10: memref<!tpu.dma_semaphore, #tpu.memory_space<semaphore_mem>>) attributes {dimension_semantics = [#tpu.dimension_semantics<core_parallel>, #tpu.dimension_semantics<subcore_parallel>], iteration_bounds = array<i64: 2, 16>, scalar_prefetch = 0 : i64, scratch_operands = 6 : i64, tpu.core_type = #tpu.core_type<sc_vector_subcore>, window_params = [{transform_indices = #map}, {transform_indices = #map1}, {transform_indices = #map1}]} {
    %mul3A = arith.constant 2 : i32
    %mul3A_0 = arith.muli %arg1, %mul3A : i32
    %add3A = arith.addi %mul3A_0, %arg0 : i32
    %mul3A_1 = arith.constant 102400 : i32
    %mul3A_2 = arith.muli %add3A, %mul3A_1 : i32
    %min3A = arith.constant 0 : i32
    %min3A_3 = arith.constant 63 : i32
    %min3A_4 = arith.minsi %min3A, %min3A_3 : i32
    %mul3A_5 = arith.constant 1600 : i32
    %mul3A_6 = arith.muli %min3A_4, %mul3A_5 : i32
    %add3A_7 = arith.addi %mul3A_2, %mul3A_6 : i32
    %run_scoped3A = arith.constant 0 : i32
    "tpu.region"() ({
      %run_scoped3A_43 = tpu.sem_alloc : memref<!tpu.dma_semaphore, #tpu.memory_space<semaphore_mem>>
      %dma_start3A_44 = arith.constant 0 : i32
      %dma_start3A_45 = tpu.memref_slice %arg5[%run_scoped3A, %dma_start3A_44] : memref<2x1600xi32, #tpu.memory_space<vmem>> -> memref<1x1600xi32, #tpu.memory_space<vmem>>
      %dma_start3A_46 = tpu.memref_squeeze %dma_start3A_45 : memref<1x1600xi32, #tpu.memory_space<vmem>> -> memref<1600xi32, #tpu.memory_space<vmem>>
      %dma_start3A_47 = tpu.memref_slice %arg2[%add3A_7] : memref<3276800xi32, #tpu.memory_space<hbm>> -> memref<1600xi32, #tpu.memory_space<hbm>>
      %dma_start3A_48 = arith.constant 0 : i32
      %dma_start3A_49 = tpu.memref_slice %arg5[%run_scoped3A, %dma_start3A_48] : memref<2x1600xi32, #tpu.memory_space<vmem>> -> memref<1x1600xi32, #tpu.memory_space<vmem>>
      %dma_start3A_50 = tpu.memref_squeeze %dma_start3A_49 : memref<1x1600xi32, #tpu.memory_space<vmem>> -> memref<1600xi32, #tpu.memory_space<vmem>>
      %dma_start3A_51 = tpu.memref_slice %arg2[%add3A_7] : memref<3276800xi32, #tpu.memory_space<hbm>> -> memref<1600xi32, #tpu.memory_space<hbm>>
      tpu.enqueue_dma source(%dma_start3A_51 : memref<1600xi32, #tpu.memory_space<hbm>>) target(%dma_start3A_50 : memref<1600xi32, #tpu.memory_space<vmem>>) target_semaphore(%run_scoped3A_43 : memref<!tpu.dma_semaphore, #tpu.memory_space<semaphore_mem>>)
      %dma_wait3A_52 = arith.constant 0 : i32
      %dma_wait3A_53 = tpu.memref_slice %arg5[%run_scoped3A, %dma_wait3A_52] : memref<2x1600xi32, #tpu.memory_space<vmem>> -> memref<1x1600xi32, #tpu.memory_space<vmem>>
      %dma_wait3A_54 = tpu.memref_squeeze %dma_wait3A_53 : memref<1x1600xi32, #tpu.memory_space<vmem>> -> memref<1600xi32, #tpu.memory_space<vmem>>
      %dma_wait3A_55 = tpu.memref_slice %arg2[%add3A_7] : memref<3276800xi32, #tpu.memory_space<hbm>> -> memref<1600xi32, #tpu.memory_space<hbm>>
      %dma_wait3A_56 = arith.constant 0 : i32
      %dma_wait3A_57 = tpu.memref_slice %arg5[%run_scoped3A, %dma_wait3A_56] : memref<2x1600xi32, #tpu.memory_space<vmem>> -> memref<1x1600xi32, #tpu.memory_space<vmem>>
      %dma_wait3A_58 = tpu.memref_squeeze %dma_wait3A_57 : memref<1x1600xi32, #tpu.memory_space<vmem>> -> memref<1600xi32, #tpu.memory_space<vmem>>
      %dma_wait3A_59 = tpu.memref_slice %arg2[%add3A_7] : memref<3276800xi32, #tpu.memory_space<hbm>> -> memref<1600xi32, #tpu.memory_space<hbm>>
      tpu.wait_dma2 semaphore(%run_scoped3A_43 : memref<!tpu.dma_semaphore, #tpu.memory_space<semaphore_mem>>) src(%dma_wait3A_59 : memref<1600xi32, #tpu.memory_space<hbm>>) dst(%dma_wait3A_58 : memref<1600xi32, #tpu.memory_space<vmem>>)
      tpu.yield
    }) : () -> ()
    %dma_start3A = arith.constant 0 : i32
    %dma_start3A_8 = arith.constant 0 : i32
    %dma_start3A_9 = arith.constant 0 : i32
    %dma_start3A_10 = arith.constant 0 : i32
    %dma_start3A_11 = tpu.memref_slice %arg6[%dma_start3A_8, %dma_start3A_9, %dma_start3A_10] : memref<2x1600x32xf32, #tpu.memory_space<vmem>> -> memref<1x1600x32xf32, #tpu.memory_space<vmem>>
    %dma_start3A_12 = tpu.memref_squeeze %dma_start3A_11 : memref<1x1600x32xf32, #tpu.memory_space<vmem>> -> memref<1600x32xf32, #tpu.memory_space<vmem>>
    %dma_start3A_13 = arith.constant 0 : i32
    %dma_start3A_14 = tpu.memref_slice %arg5[%dma_start3A, %dma_start3A_13] : memref<2x1600xi32, #tpu.memory_space<vmem>> -> memref<1x1600xi32, #tpu.memory_space<vmem>>
    %dma_start3A_15 = tpu.memref_squeeze %dma_start3A_14 : memref<1x1600xi32, #tpu.memory_space<vmem>> -> memref<1600xi32, #tpu.memory_space<vmem>>
    %dma_start3A_16 = arith.constant 0 : i32
    %dma_start3A_17 = arith.constant 0 : i32
    %dma_start3A_18 = tpu.memref_slice %arg3[%dma_start3A_16, %dma_start3A_17] : memref<1000000x32xf32, #tpu.memory_space<hbm>> -> memref<1000000x32xf32, #tpu.memory_space<hbm>>
    tpu.enqueue_indirect_dma source(%dma_start3A_18 : memref<1000000x32xf32, #tpu.memory_space<hbm>>) target(%dma_start3A_12 : memref<1600x32xf32, #tpu.memory_space<vmem>>) offsets(%dma_start3A_15 : memref<1600xi32, #tpu.memory_space<vmem>>) semaphore(%arg7 : memref<!tpu.dma_semaphore, #tpu.memory_space<semaphore_mem>>)
    %min3A_19 = arith.constant 1 : i32
    %min3A_20 = arith.constant 63 : i32
    %min3A_21 = arith.minsi %min3A_19, %min3A_20 : i32
    %mul3A_22 = arith.constant 1600 : i32
    %mul3A_23 = arith.muli %min3A_21, %mul3A_22 : i32
    %add3A_24 = arith.addi %mul3A_2, %mul3A_23 : i32
    %run_scoped3A_25 = arith.constant 1 : i32
    "tpu.region"() ({
      %run_scoped3A_43 = tpu.sem_alloc : memref<!tpu.dma_semaphore, #tpu.memory_space<semaphore_mem>>
      %dma_start3A_44 = arith.constant 0 : i32
      %dma_start3A_45 = tpu.memref_slice %arg5[%run_scoped3A_25, %dma_start3A_44] : memref<2x1600xi32, #tpu.memory_space<vmem>> -> memref<1x1600xi32, #tpu.memory_space<vmem>>
      %dma_start3A_46 = tpu.memref_squeeze %dma_start3A_45 : memref<1x1600xi32, #tpu.memory_space<vmem>> -> memref<1600xi32, #tpu.memory_space<vmem>>
      %dma_start3A_47 = tpu.memref_slice %arg2[%add3A_24] : memref<3276800xi32, #tpu.memory_space<hbm>> -> memref<1600xi32, #tpu.memory_space<hbm>>
      %dma_start3A_48 = arith.constant 0 : i32
      %dma_start3A_49 = tpu.memref_slice %arg5[%run_scoped3A_25, %dma_start3A_48] : memref<2x1600xi32, #tpu.memory_space<vmem>> -> memref<1x1600xi32, #tpu.memory_space<vmem>>
      %dma_start3A_50 = tpu.memref_squeeze %dma_start3A_49 : memref<1x1600xi32, #tpu.memory_space<vmem>> -> memref<1600xi32, #tpu.memory_space<vmem>>
      %dma_start3A_51 = tpu.memref_slice %arg2[%add3A_24] : memref<3276800xi32, #tpu.memory_space<hbm>> -> memref<1600xi32, #tpu.memory_space<hbm>>
      tpu.enqueue_dma source(%dma_start3A_51 : memref<1600xi32, #tpu.memory_space<hbm>>) target(%dma_start3A_50 : memref<1600xi32, #tpu.memory_space<vmem>>) target_semaphore(%run_scoped3A_43 : memref<!tpu.dma_semaphore, #tpu.memory_space<semaphore_mem>>)
      %dma_wait3A_52 = arith.constant 0 : i32
      %dma_wait3A_53 = tpu.memref_slice %arg5[%run_scoped3A_25, %dma_wait3A_52] : memref<2x1600xi32, #tpu.memory_space<vmem>> -> memref<1x1600xi32, #tpu.memory_space<vmem>>
      %dma_wait3A_54 = tpu.memref_squeeze %dma_wait3A_53 : memref<1x1600xi32, #tpu.memory_space<vmem>> -> memref<1600xi32, #tpu.memory_space<vmem>>
      %dma_wait3A_55 = tpu.memref_slice %arg2[%add3A_24] : memref<3276800xi32, #tpu.memory_space<hbm>> -> memref<1600xi32, #tpu.memory_space<hbm>>
      %dma_wait3A_56 = arith.constant 0 : i32
      %dma_wait3A_57 = tpu.memref_slice %arg5[%run_scoped3A_25, %dma_wait3A_56] : memref<2x1600xi32, #tpu.memory_space<vmem>> -> memref<1x1600xi32, #tpu.memory_space<vmem>>
      %dma_wait3A_58 = tpu.memref_squeeze %dma_wait3A_57 : memref<1x1600xi32, #tpu.memory_space<vmem>> -> memref<1600xi32, #tpu.memory_space<vmem>>
      %dma_wait3A_59 = tpu.memref_slice %arg2[%add3A_24] : memref<3276800xi32, #tpu.memory_space<hbm>> -> memref<1600xi32, #tpu.memory_space<hbm>>
      tpu.wait_dma2 semaphore(%run_scoped3A_43 : memref<!tpu.dma_semaphore, #tpu.memory_space<semaphore_mem>>) src(%dma_wait3A_59 : memref<1600xi32, #tpu.memory_space<hbm>>) dst(%dma_wait3A_58 : memref<1600xi32, #tpu.memory_space<vmem>>)
      tpu.yield
    }) : () -> ()
    %scan3A = arith.constant 0 : i32
    %scan3A_26 = arith.constant 0 : i32
    %scan3A_27 = arith.constant 32 : i32
    %scan3A_28 = arith.addi %scan3A_26, %scan3A_27 : i32
    %scan3A_29 = arith.constant 1 : i32
    scf.for %scan3A_43 = %scan3A_26 to %scan3A_28 step %scan3A_29  : i32 {
      %mul3A_44 = arith.constant 2 : i32
      %mul3A_45 = arith.muli %mul3A_44, %scan3A_43 : i32
      %add3A_46 = arith.constant 1 : i32
      %add3A_47 = arith.addi %mul3A_45, %add3A_46 : i32
      %dma_wait3A_48 = arith.constant 0 : i32
      %dma_wait3A_49 = arith.constant 0 : i32
      %dma_wait3A_50 = arith.constant 0 : i32
      %dma_wait3A_51 = arith.constant 0 : i32
      %dma_wait3A_52 = tpu.memref_slice %arg6[%dma_wait3A_49, %dma_wait3A_50, %dma_wait3A_51] : memref<2x1600x32xf32, #tpu.memory_space<vmem>> -> memref<1x1600x32xf32, #tpu.memory_space<vmem>>
      %dma_wait3A_53 = tpu.memref_squeeze %dma_wait3A_52 : memref<1x1600x32xf32, #tpu.memory_space<vmem>> -> memref<1600x32xf32, #tpu.memory_space<vmem>>
      %dma_wait3A_54 = arith.constant 0 : i32
      %dma_wait3A_55 = tpu.memref_slice %arg5[%dma_wait3A_48, %dma_wait3A_54] : memref<2x1600xi32, #tpu.memory_space<vmem>> -> memref<1x1600xi32, #tpu.memory_space<vmem>>
      %dma_wait3A_56 = tpu.memref_squeeze %dma_wait3A_55 : memref<1x1600xi32, #tpu.memory_space<vmem>> -> memref<1600xi32, #tpu.memory_space<vmem>>
      %dma_wait3A_57 = arith.constant 0 : i32
      %dma_wait3A_58 = arith.constant 0 : i32
      %dma_wait3A_59 = tpu.memref_slice %arg3[%dma_wait3A_57, %dma_wait3A_58] : memref<1000000x32xf32, #tpu.memory_space<hbm>> -> memref<1000000x32xf32, #tpu.memory_space<hbm>>
      tpu.wait_indirect_dma semaphore(%arg7 : memref<!tpu.dma_semaphore, #tpu.memory_space<semaphore_mem>>) src(%dma_wait3A_59 : memref<1000000x32xf32, #tpu.memory_space<hbm>>) dst(%dma_wait3A_53 : memref<1600x32xf32, #tpu.memory_space<vmem>>)
      %mul3A_60 = arith.constant 1600 : i32
      %mul3A_61 = arith.muli %mul3A_45, %mul3A_60 : i32
      %add3A_62 = arith.addi %mul3A_2, %mul3A_61 : i32
      %dma_start3A_63 = arith.constant 0 : i32
      %dma_start3A_64 = arith.constant 0 : i32
      %dma_start3A_65 = arith.constant 0 : i32
      %dma_start3A_66 = tpu.memref_slice %arg6[%dma_start3A_63, %dma_start3A_64, %dma_start3A_65] : memref<2x1600x32xf32, #tpu.memory_space<vmem>> -> memref<1x1600x32xf32, #tpu.memory_space<vmem>>
      %dma_start3A_67 = tpu.memref_squeeze %dma_start3A_66 : memref<1x1600x32xf32, #tpu.memory_space<vmem>> -> memref<1600x32xf32, #tpu.memory_space<vmem>>
      %dma_start3A_68 = arith.constant 0 : i32
      %dma_start3A_69 = tpu.memref_slice %arg4[%add3A_62, %dma_start3A_68] : memref<3276800x32xf32, #tpu.memory_space<hbm>> -> memref<1600x32xf32, #tpu.memory_space<hbm>>
      %dma_start3A_70 = arith.constant 0 : i32
      %dma_start3A_71 = tpu.memref_slice %arg4[%add3A_62, %dma_start3A_70] : memref<3276800x32xf32, #tpu.memory_space<hbm>> -> memref<1600x32xf32, #tpu.memory_space<hbm>>
      %dma_start3A_72 = arith.constant 0 : i32
      %dma_start3A_73 = arith.constant 0 : i32
      %dma_start3A_74 = tpu.memref_slice %arg6[%dma_start3A_63, %dma_start3A_72, %dma_start3A_73] : memref<2x1600x32xf32, #tpu.memory_space<vmem>> -> memref<1x1600x32xf32, #tpu.memory_space<vmem>>
      %dma_start3A_75 = tpu.memref_squeeze %dma_start3A_74 : memref<1x1600x32xf32, #tpu.memory_space<vmem>> -> memref<1600x32xf32, #tpu.memory_space<vmem>>
      tpu.enqueue_dma source(%dma_start3A_75 : memref<1600x32xf32, #tpu.memory_space<vmem>>) target(%dma_start3A_71 : memref<1600x32xf32, #tpu.memory_space<hbm>>) target_semaphore(%arg9 : memref<!tpu.dma_semaphore, #tpu.memory_space<semaphore_mem>>)
      %gt3A = arith.constant 0 : i32
      %gt3A_76 = arith.cmpi sgt, %scan3A_43, %gt3A : i32
      %convert_element_type3A = arith.extui %gt3A_76 : i1 to i32
      %cond3A = arith.constant 0 : i32
      %cond3A_77 = arith.cmpi ne, %convert_element_type3A, %cond3A : i32
      scf.if %cond3A_77 {
        %dma_wait3A_151 = arith.constant 1 : i32
        %dma_wait3A_152 = arith.constant 0 : i32
        %dma_wait3A_153 = arith.constant 0 : i32
        %dma_wait3A_154 = tpu.memref_slice %arg6[%dma_wait3A_151, %dma_wait3A_152, %dma_wait3A_153] : memref<2x1600x32xf32, #tpu.memory_space<vmem>> -> memref<1x1600x32xf32, #tpu.memory_space<vmem>>
        %dma_wait3A_155 = tpu.memref_squeeze %dma_wait3A_154 : memref<1x1600x32xf32, #tpu.memory_space<vmem>> -> memref<1600x32xf32, #tpu.memory_space<vmem>>
        %dma_wait3A_156 = arith.constant 0 : i32
        %dma_wait3A_157 = tpu.memref_slice %arg4[%mul3A_2, %dma_wait3A_156] : memref<3276800x32xf32, #tpu.memory_space<hbm>> -> memref<1600x32xf32, #tpu.memory_space<hbm>>
        %dma_wait3A_158 = arith.constant 0 : i32
        %dma_wait3A_159 = tpu.memref_slice %arg4[%mul3A_2, %dma_wait3A_158] : memref<3276800x32xf32, #tpu.memory_space<hbm>> -> memref<1600x32xf32, #tpu.memory_space<hbm>>
        %dma_wait3A_160 = arith.constant 0 : i32
        %dma_wait3A_161 = arith.constant 0 : i32
        %dma_wait3A_162 = tpu.memref_slice %arg6[%dma_wait3A_151, %dma_wait3A_160, %dma_wait3A_161] : memref<2x1600x32xf32, #tpu.memory_space<vmem>> -> memref<1x1600x32xf32, #tpu.memory_space<vmem>>
        %dma_wait3A_163 = tpu.memref_squeeze %dma_wait3A_162 : memref<1x1600x32xf32, #tpu.memory_space<vmem>> -> memref<1600x32xf32, #tpu.memory_space<vmem>>
        tpu.wait_dma2 semaphore(%arg10 : memref<!tpu.dma_semaphore, #tpu.memory_space<semaphore_mem>>) src(%dma_wait3A_163 : memref<1600x32xf32, #tpu.memory_space<vmem>>) dst(%dma_wait3A_159 : memref<1600x32xf32, #tpu.memory_space<hbm>>)
      } else {
      }
      %dma_start3A_78 = arith.constant 1 : i32
      %dma_start3A_79 = arith.constant 1 : i32
      %dma_start3A_80 = arith.constant 0 : i32
      %dma_start3A_81 = arith.constant 0 : i32
      %dma_start3A_82 = tpu.memref_slice %arg6[%dma_start3A_79, %dma_start3A_80, %dma_start3A_81] : memref<2x1600x32xf32, #tpu.memory_space<vmem>> -> memref<1x1600x32xf32, #tpu.memory_space<vmem>>
      %dma_start3A_83 = tpu.memref_squeeze %dma_start3A_82 : memref<1x1600x32xf32, #tpu.memory_space<vmem>> -> memref<1600x32xf32, #tpu.memory_space<vmem>>
      %dma_start3A_84 = arith.constant 0 : i32
      %dma_start3A_85 = tpu.memref_slice %arg5[%dma_start3A_78, %dma_start3A_84] : memref<2x1600xi32, #tpu.memory_space<vmem>> -> memref<1x1600xi32, #tpu.memory_space<vmem>>
      %dma_start3A_86 = tpu.memref_squeeze %dma_start3A_85 : memref<1x1600xi32, #tpu.memory_space<vmem>> -> memref<1600xi32, #tpu.memory_space<vmem>>
      %dma_start3A_87 = arith.constant 0 : i32
      %dma_start3A_88 = arith.constant 0 : i32
      %dma_start3A_89 = tpu.memref_slice %arg3[%dma_start3A_87, %dma_start3A_88] : memref<1000000x32xf32, #tpu.memory_space<hbm>> -> memref<1000000x32xf32, #tpu.memory_space<hbm>>
      tpu.enqueue_indirect_dma source(%dma_start3A_89 : memref<1000000x32xf32, #tpu.memory_space<hbm>>) target(%dma_start3A_83 : memref<1600x32xf32, #tpu.memory_space<vmem>>) offsets(%dma_start3A_86 : memref<1600xi32, #tpu.memory_space<vmem>>) semaphore(%arg8 : memref<!tpu.dma_semaphore, #tpu.memory_space<semaphore_mem>>)
      %add3A_90 = arith.constant 2 : i32
      %add3A_91 = arith.addi %mul3A_45, %add3A_90 : i32
      %min3A_92 = arith.constant 63 : i32
      %min3A_93 = arith.minsi %add3A_91, %min3A_92 : i32
      %mul3A_94 = arith.constant 1600 : i32
      %mul3A_95 = arith.muli %min3A_93, %mul3A_94 : i32
      %add3A_96 = arith.addi %mul3A_2, %mul3A_95 : i32
      %run_scoped3A_97 = arith.constant 0 : i32
      "tpu.region"() ({
        %run_scoped3A_151 = tpu.sem_alloc : memref<!tpu.dma_semaphore, #tpu.memory_space<semaphore_mem>>
        %dma_start3A_152 = arith.constant 0 : i32
        %dma_start3A_153 = tpu.memref_slice %arg5[%run_scoped3A_97, %dma_start3A_152] : memref<2x1600xi32, #tpu.memory_space<vmem>> -> memref<1x1600xi32, #tpu.memory_space<vmem>>
        %dma_start3A_154 = tpu.memref_squeeze %dma_start3A_153 : memref<1x1600xi32, #tpu.memory_space<vmem>> -> memref<1600xi32, #tpu.memory_space<vmem>>
        %dma_start3A_155 = tpu.memref_slice %arg2[%add3A_96] : memref<3276800xi32, #tpu.memory_space<hbm>> -> memref<1600xi32, #tpu.memory_space<hbm>>
        %dma_start3A_156 = arith.constant 0 : i32
        %dma_start3A_157 = tpu.memref_slice %arg5[%run_scoped3A_97, %dma_start3A_156] : memref<2x1600xi32, #tpu.memory_space<vmem>> -> memref<1x1600xi32, #tpu.memory_space<vmem>>
        %dma_start3A_158 = tpu.memref_squeeze %dma_start3A_157 : memref<1x1600xi32, #tpu.memory_space<vmem>> -> memref<1600xi32, #tpu.memory_space<vmem>>
        %dma_start3A_159 = tpu.memref_slice %arg2[%add3A_96] : memref<3276800xi32, #tpu.memory_space<hbm>> -> memref<1600xi32, #tpu.memory_space<hbm>>
        tpu.enqueue_dma source(%dma_start3A_159 : memref<1600xi32, #tpu.memory_space<hbm>>) target(%dma_start3A_158 : memref<1600xi32, #tpu.memory_space<vmem>>) target_semaphore(%run_scoped3A_151 : memref<!tpu.dma_semaphore, #tpu.memory_space<semaphore_mem>>)
        %dma_wait3A_160 = arith.constant 0 : i32
        %dma_wait3A_161 = tpu.memref_slice %arg5[%run_scoped3A_97, %dma_wait3A_160] : memref<2x1600xi32, #tpu.memory_space<vmem>> -> memref<1x1600xi32, #tpu.memory_space<vmem>>
        %dma_wait3A_162 = tpu.memref_squeeze %dma_wait3A_161 : memref<1x1600xi32, #tpu.memory_space<vmem>> -> memref<1600xi32, #tpu.memory_space<vmem>>
        %dma_wait3A_163 = tpu.memref_slice %arg2[%add3A_96] : memref<3276800xi32, #tpu.memory_space<hbm>> -> memref<1600xi32, #tpu.memory_space<hbm>>
        %dma_wait3A_164 = arith.constant 0 : i32
        %dma_wait3A_165 = tpu.memref_slice %arg5[%run_scoped3A_97, %dma_wait3A_164] : memref<2x1600xi32, #tpu.memory_space<vmem>> -> memref<1x1600xi32, #tpu.memory_space<vmem>>
        %dma_wait3A_166 = tpu.memref_squeeze %dma_wait3A_165 : memref<1x1600xi32, #tpu.memory_space<vmem>> -> memref<1600xi32, #tpu.memory_space<vmem>>
        %dma_wait3A_167 = tpu.memref_slice %arg2[%add3A_96] : memref<3276800xi32, #tpu.memory_space<hbm>> -> memref<1600xi32, #tpu.memory_space<hbm>>
        tpu.wait_dma2 semaphore(%run_scoped3A_151 : memref<!tpu.dma_semaphore, #tpu.memory_space<semaphore_mem>>) src(%dma_wait3A_167 : memref<1600xi32, #tpu.memory_space<hbm>>) dst(%dma_wait3A_166 : memref<1600xi32, #tpu.memory_space<vmem>>)
        tpu.yield
      }) : () -> ()
      %dma_wait3A_98 = arith.constant 1 : i32
      %dma_wait3A_99 = arith.constant 1 : i32
      %dma_wait3A_100 = arith.constant 0 : i32
      %dma_wait3A_101 = arith.constant 0 : i32
      %dma_wait3A_102 = tpu.memref_slice %arg6[%dma_wait3A_99, %dma_wait3A_100, %dma_wait3A_101] : memref<2x1600x32xf32, #tpu.memory_space<vmem>> -> memref<1x1600x32xf32, #tpu.memory_space<vmem>>
      %dma_wait3A_103 = tpu.memref_squeeze %dma_wait3A_102 : memref<1x1600x32xf32, #tpu.memory_space<vmem>> -> memref<1600x32xf32, #tpu.memory_space<vmem>>
      %dma_wait3A_104 = arith.constant 0 : i32
      %dma_wait3A_105 = tpu.memref_slice %arg5[%dma_wait3A_98, %dma_wait3A_104] : memref<2x1600xi32, #tpu.memory_space<vmem>> -> memref<1x1600xi32, #tpu.memory_space<vmem>>
      %dma_wait3A_106 = tpu.memref_squeeze %dma_wait3A_105 : memref<1x1600xi32, #tpu.memory_space<vmem>> -> memref<1600xi32, #tpu.memory_space<vmem>>
      %dma_wait3A_107 = arith.constant 0 : i32
      %dma_wait3A_108 = arith.constant 0 : i32
      %dma_wait3A_109 = tpu.memref_slice %arg3[%dma_wait3A_107, %dma_wait3A_108] : memref<1000000x32xf32, #tpu.memory_space<hbm>> -> memref<1000000x32xf32, #tpu.memory_space<hbm>>
      tpu.wait_indirect_dma semaphore(%arg8 : memref<!tpu.dma_semaphore, #tpu.memory_space<semaphore_mem>>) src(%dma_wait3A_109 : memref<1000000x32xf32, #tpu.memory_space<hbm>>) dst(%dma_wait3A_103 : memref<1600x32xf32, #tpu.memory_space<vmem>>)
      %mul3A_110 = arith.constant 1600 : i32
      %mul3A_111 = arith.muli %add3A_47, %mul3A_110 : i32
      %add3A_112 = arith.addi %mul3A_2, %mul3A_111 : i32
      %dma_start3A_113 = arith.constant 1 : i32
      %dma_start3A_114 = arith.constant 0 : i32
      %dma_start3A_115 = arith.constant 0 : i32
      %dma_start3A_116 = tpu.memref_slice %arg6[%dma_start3A_113, %dma_start3A_114, %dma_start3A_115] : memref<2x1600x32xf32, #tpu.memory_space<vmem>> -> memref<1x1600x32xf32, #tpu.memory_space<vmem>>
      %dma_start3A_117 = tpu.memref_squeeze %dma_start3A_116 : memref<1x1600x32xf32, #tpu.memory_space<vmem>> -> memref<1600x32xf32, #tpu.memory_space<vmem>>
      %dma_start3A_118 = arith.constant 0 : i32
      %dma_start3A_119 = tpu.memref_slice %arg4[%add3A_112, %dma_start3A_118] : memref<3276800x32xf32, #tpu.memory_space<hbm>> -> memref<1600x32xf32, #tpu.memory_space<hbm>>
      %dma_start3A_120 = arith.constant 0 : i32
      %dma_start3A_121 = tpu.memref_slice %arg4[%add3A_112, %dma_start3A_120] : memref<3276800x32xf32, #tpu.memory_space<hbm>> -> memref<1600x32xf32, #tpu.memory_space<hbm>>
      %dma_start3A_122 = arith.constant 0 : i32
      %dma_start3A_123 = arith.constant 0 : i32
      %dma_start3A_124 = tpu.memref_slice %arg6[%dma_start3A_113, %dma_start3A_122, %dma_start3A_123] : memref<2x1600x32xf32, #tpu.memory_space<vmem>> -> memref<1x1600x32xf32, #tpu.memory_space<vmem>>
      %dma_start3A_125 = tpu.memref_squeeze %dma_start3A_124 : memref<1x1600x32xf32, #tpu.memory_space<vmem>> -> memref<1600x32xf32, #tpu.memory_space<vmem>>
      tpu.enqueue_dma source(%dma_start3A_125 : memref<1600x32xf32, #tpu.memory_space<vmem>>) target(%dma_start3A_121 : memref<1600x32xf32, #tpu.memory_space<hbm>>) target_semaphore(%arg10 : memref<!tpu.dma_semaphore, #tpu.memory_space<semaphore_mem>>)
      %dma_wait3A_126 = arith.constant 0 : i32
      %dma_wait3A_127 = arith.constant 0 : i32
      %dma_wait3A_128 = arith.constant 0 : i32
      %dma_wait3A_129 = tpu.memref_slice %arg6[%dma_wait3A_126, %dma_wait3A_127, %dma_wait3A_128] : memref<2x1600x32xf32, #tpu.memory_space<vmem>> -> memref<1x1600x32xf32, #tpu.memory_space<vmem>>
      %dma_wait3A_130 = tpu.memref_squeeze %dma_wait3A_129 : memref<1x1600x32xf32, #tpu.memory_space<vmem>> -> memref<1600x32xf32, #tpu.memory_space<vmem>>
      %dma_wait3A_131 = arith.constant 0 : i32
      %dma_wait3A_132 = tpu.memref_slice %arg4[%mul3A_2, %dma_wait3A_131] : memref<3276800x32xf32, #tpu.memory_space<hbm>> -> memref<1600x32xf32, #tpu.memory_space<hbm>>
      %dma_wait3A_133 = arith.constant 0 : i32
      %dma_wait3A_134 = tpu.memref_slice %arg4[%mul3A_2, %dma_wait3A_133] : memref<3276800x32xf32, #tpu.memory_space<hbm>> -> memref<1600x32xf32, #tpu.memory_space<hbm>>
      %dma_wait3A_135 = arith.constant 0 : i32
      %dma_wait3A_136 = arith.constant 0 : i32
      %dma_wait3A_137 = tpu.memref_slice %arg6[%dma_wait3A_126, %dma_wait3A_135, %dma_wait3A_136] : memref<2x1600x32xf32, #tpu.memory_space<vmem>> -> memref<1x1600x32xf32, #tpu.memory_space<vmem>>
      %dma_wait3A_138 = tpu.memref_squeeze %dma_wait3A_137 : memref<1x1600x32xf32, #tpu.memory_space<vmem>> -> memref<1600x32xf32, #tpu.memory_space<vmem>>
      tpu.wait_dma2 semaphore(%arg9 : memref<!tpu.dma_semaphore, #tpu.memory_space<semaphore_mem>>) src(%dma_wait3A_138 : memref<1600x32xf32, #tpu.memory_space<vmem>>) dst(%dma_wait3A_134 : memref<1600x32xf32, #tpu.memory_space<hbm>>)
      %lt3A = arith.constant 31 : i32
      %lt3A_139 = arith.cmpi slt, %scan3A_43, %lt3A : i32
      %convert_element_type3A_140 = arith.extui %lt3A_139 : i1 to i32
      %cond3A_141 = arith.constant 0 : i32
      %cond3A_142 = arith.cmpi ne, %convert_element_type3A_140, %cond3A_141 : i32
      scf.if %cond3A_142 {
        %dma_start3A_151 = arith.constant 0 : i32
        %dma_start3A_152 = arith.constant 0 : i32
        %dma_start3A_153 = arith.constant 0 : i32
        %dma_start3A_154 = arith.constant 0 : i32
        %dma_start3A_155 = tpu.memref_slice %arg6[%dma_start3A_152, %dma_start3A_153, %dma_start3A_154] : memref<2x1600x32xf32, #tpu.memory_space<vmem>> -> memref<1x1600x32xf32, #tpu.memory_space<vmem>>
        %dma_start3A_156 = tpu.memref_squeeze %dma_start3A_155 : memref<1x1600x32xf32, #tpu.memory_space<vmem>> -> memref<1600x32xf32, #tpu.memory_space<vmem>>
        %dma_start3A_157 = arith.constant 0 : i32
        %dma_start3A_158 = tpu.memref_slice %arg5[%dma_start3A_151, %dma_start3A_157] : memref<2x1600xi32, #tpu.memory_space<vmem>> -> memref<1x1600xi32, #tpu.memory_space<vmem>>
        %dma_start3A_159 = tpu.memref_squeeze %dma_start3A_158 : memref<1x1600xi32, #tpu.memory_space<vmem>> -> memref<1600xi32, #tpu.memory_space<vmem>>
        %dma_start3A_160 = arith.constant 0 : i32
        %dma_start3A_161 = arith.constant 0 : i32
        %dma_start3A_162 = tpu.memref_slice %arg3[%dma_start3A_160, %dma_start3A_161] : memref<1000000x32xf32, #tpu.memory_space<hbm>> -> memref<1000000x32xf32, #tpu.memory_space<hbm>>
        tpu.enqueue_indirect_dma source(%dma_start3A_162 : memref<1000000x32xf32, #tpu.memory_space<hbm>>) target(%dma_start3A_156 : memref<1600x32xf32, #tpu.memory_space<vmem>>) offsets(%dma_start3A_159 : memref<1600xi32, #tpu.memory_space<vmem>>) semaphore(%arg7 : memref<!tpu.dma_semaphore, #tpu.memory_space<semaphore_mem>>)
      } else {
      }
      %add3A_143 = arith.constant 2 : i32
      %add3A_144 = arith.addi %add3A_47, %add3A_143 : i32
      %min3A_145 = arith.constant 63 : i32
      %min3A_146 = arith.minsi %add3A_144, %min3A_145 : i32
      %mul3A_147 = arith.constant 1600 : i32
      %mul3A_148 = arith.muli %min3A_146, %mul3A_147 : i32
      %add3A_149 = arith.addi %mul3A_2, %mul3A_148 : i32
      %run_scoped3A_150 = arith.constant 1 : i32
      "tpu.region"() ({
        %run_scoped3A_151 = tpu.sem_alloc : memref<!tpu.dma_semaphore, #tpu.memory_space<semaphore_mem>>
        %dma_start3A_152 = arith.constant 0 : i32
        %dma_start3A_153 = tpu.memref_slice %arg5[%run_scoped3A_150, %dma_start3A_152] : memref<2x1600xi32, #tpu.memory_space<vmem>> -> memref<1x1600xi32, #tpu.memory_space<vmem>>
        %dma_start3A_154 = tpu.memref_squeeze %dma_start3A_153 : memref<1x1600xi32, #tpu.memory_space<vmem>> -> memref<1600xi32, #tpu.memory_space<vmem>>
        %dma_start3A_155 = tpu.memref_slice %arg2[%add3A_149] : memref<3276800xi32, #tpu.memory_space<hbm>> -> memref<1600xi32, #tpu.memory_space<hbm>>
        %dma_start3A_156 = arith.constant 0 : i32
        %dma_start3A_157 = tpu.memref_slice %arg5[%run_scoped3A_150, %dma_start3A_156] : memref<2x1600xi32, #tpu.memory_space<vmem>> -> memref<1x1600xi32, #tpu.memory_space<vmem>>
        %dma_start3A_158 = tpu.memref_squeeze %dma_start3A_157 : memref<1x1600xi32, #tpu.memory_space<vmem>> -> memref<1600xi32, #tpu.memory_space<vmem>>
        %dma_start3A_159 = tpu.memref_slice %arg2[%add3A_149] : memref<3276800xi32, #tpu.memory_space<hbm>> -> memref<1600xi32, #tpu.memory_space<hbm>>
        tpu.enqueue_dma source(%dma_start3A_159 : memref<1600xi32, #tpu.memory_space<hbm>>) target(%dma_start3A_158 : memref<1600xi32, #tpu.memory_space<vmem>>) target_semaphore(%run_scoped3A_151 : memref<!tpu.dma_semaphore, #tpu.memory_space<semaphore_mem>>)
        %dma_wait3A_160 = arith.constant 0 : i32
        %dma_wait3A_161 = tpu.memref_slice %arg5[%run_scoped3A_150, %dma_wait3A_160] : memref<2x1600xi32, #tpu.memory_space<vmem>> -> memref<1x1600xi32, #tpu.memory_space<vmem>>
        %dma_wait3A_162 = tpu.memref_squeeze %dma_wait3A_161 : memref<1x1600xi32, #tpu.memory_space<vmem>> -> memref<1600xi32, #tpu.memory_space<vmem>>
        %dma_wait3A_163 = tpu.memref_slice %arg2[%add3A_149] : memref<3276800xi32, #tpu.memory_space<hbm>> -> memref<1600xi32, #tpu.memory_space<hbm>>
        %dma_wait3A_164 = arith.constant 0 : i32
        %dma_wait3A_165 = tpu.memref_slice %arg5[%run_scoped3A_150, %dma_wait3A_164] : memref<2x1600xi32, #tpu.memory_space<vmem>> -> memref<1x1600xi32, #tpu.memory_space<vmem>>
        %dma_wait3A_166 = tpu.memref_squeeze %dma_wait3A_165 : memref<1x1600xi32, #tpu.memory_space<vmem>> -> memref<1600xi32, #tpu.memory_space<vmem>>
        %dma_wait3A_167 = tpu.memref_slice %arg2[%add3A_149] : memref<3276800xi32, #tpu.memory_space<hbm>> -> memref<1600xi32, #tpu.memory_space<hbm>>
        tpu.wait_dma2 semaphore(%run_scoped3A_151 : memref<!tpu.dma_semaphore, #tpu.memory_space<semaphore_mem>>) src(%dma_wait3A_167 : memref<1600xi32, #tpu.memory_space<hbm>>) dst(%dma_wait3A_166 : memref<1600xi32, #tpu.memory_space<vmem>>)
        tpu.yield
      }) : () -> ()
    }
    %scan3A_30 = arith.constant 32 : i32
    %dma_wait3A = arith.constant 1 : i32
    %dma_wait3A_31 = arith.constant 0 : i32
    %dma_wait3A_32 = arith.constant 0 : i32
    %dma_wait3A_33 = tpu.memref_slice %arg6[%dma_wait3A, %dma_wait3A_31, %dma_wait3A_32] : memref<2x1600x32xf32, #tpu.memory_space<vmem>> -> memref<1x1600x32xf32, #tpu.memory_space<vmem>>
    %dma_wait3A_34 = tpu.memref_squeeze %dma_wait3A_33 : memref<1x1600x32xf32, #tpu.memory_space<vmem>> -> memref<1600x32xf32, #tpu.memory_space<vmem>>
    %dma_wait3A_35 = arith.constant 0 : i32
    %dma_wait3A_36 = tpu.memref_slice %arg4[%mul3A_2, %dma_wait3A_35] : memref<3276800x32xf32, #tpu.memory_space<hbm>> -> memref<1600x32xf32, #tpu.memory_space<hbm>>
    %dma_wait3A_37 = arith.constant 0 : i32
    %dma_wait3A_38 = tpu.memref_slice %arg4[%mul3A_2, %dma_wait3A_37] : memref<3276800x32xf32, #tpu.memory_space<hbm>> -> memref<1600x32xf32, #tpu.memory_space<hbm>>
    %dma_wait3A_39 = arith.constant 0 : i32
    %dma_wait3A_40 = arith.constant 0 : i32
    %dma_wait3A_41 = tpu.memref_slice %arg6[%dma_wait3A, %dma_wait3A_39, %dma_wait3A_40] : memref<2x1600x32xf32, #tpu.memory_space<vmem>> -> memref<1x1600x32xf32, #tpu.memory_space<vmem>>
    %dma_wait3A_42 = tpu.memref_squeeze %dma_wait3A_41 : memref<1x1600x32xf32, #tpu.memory_space<vmem>> -> memref<1600x32xf32, #tpu.memory_space<vmem>>
    tpu.wait_dma2 semaphore(%arg10 : memref<!tpu.dma_semaphore, #tpu.memory_space<semaphore_mem>>) src(%dma_wait3A_42 : memref<1600x32xf32, #tpu.memory_space<vmem>>) dst(%dma_wait3A_38 : memref<1600x32xf32, #tpu.memory_space<hbm>>)
    return
  }
}

module attributes {stable_mosaic.version = 14 : i64} {
  func.func @body(%arg0: i32, %arg1: memref<32x6400xf32, #tpu.memory_space<vmem>>, %arg2: memref<1600x128xf32, #tpu.memory_space<vmem>>) attributes {dimension_semantics = [#tpu.dimension_semantics<arbitrary>], iteration_bounds = array<i64: 157>, scalar_prefetch = 0 : i64, scratch_operands = 0 : i64, tpu.core_type = #tpu.core_type<tc>, window_params = [{transform_indices = @transform_0, window_bounds = array<i64: 32, 6400>}, {transform_indices = @transform_1, window_bounds = array<i64: 1600, 128>}]} {
    %get3A = arith.constant 0 : index
    %get3A_0 = arith.constant 0 : index
    %get3A_1 = vector.load %arg1[%get3A, %get3A_0] : memref<32x6400xf32, #tpu.memory_space<vmem>>, vector<32x6400xf32>
    %transpose3A = tpu.transpose %get3A_1, [1, 0] : vector<32x6400xf32> -> vector<6400x32xf32>
    %reshape3A = vector.shape_cast %transpose3A : vector<6400x32xf32> to vector<1600x4x32xf32>
    %slice3A = vector.extract_strided_slice %reshape3A {offsets = [0, 0, 0], sizes = [1600, 1, 32], strides = [1, 1, 1]} : vector<1600x4x32xf32> to vector<1600x1x32xf32>
    %squeeze3A = vector.shape_cast %slice3A : vector<1600x1x32xf32> to vector<1600x32xf32>
    %slice3A_2 = vector.extract_strided_slice %reshape3A {offsets = [0, 1, 0], sizes = [1600, 1, 32], strides = [1, 1, 1]} : vector<1600x4x32xf32> to vector<1600x1x32xf32>
    %squeeze3A_3 = vector.shape_cast %slice3A_2 : vector<1600x1x32xf32> to vector<1600x32xf32>
    %slice3A_4 = vector.extract_strided_slice %reshape3A {offsets = [0, 2, 0], sizes = [1600, 1, 32], strides = [1, 1, 1]} : vector<1600x4x32xf32> to vector<1600x1x32xf32>
    %squeeze3A_5 = vector.shape_cast %slice3A_4 : vector<1600x1x32xf32> to vector<1600x32xf32>
    %slice3A_6 = vector.extract_strided_slice %reshape3A {offsets = [0, 3, 0], sizes = [1600, 1, 32], strides = [1, 1, 1]} : vector<1600x4x32xf32> to vector<1600x1x32xf32>
    %squeeze3A_7 = vector.shape_cast %slice3A_6 : vector<1600x1x32xf32> to vector<1600x32xf32>
    %concatenate3A = tpu.concatenate %squeeze3A, %squeeze3A_3, %squeeze3A_5, %squeeze3A_7 in 1 : vector<1600x32xf32>, vector<1600x32xf32>, vector<1600x32xf32>, vector<1600x32xf32> -> vector<1600x128xf32>
    %swap3A = arith.constant 0 : index
    %swap3A_8 = arith.constant 0 : index
    %swap3A_9 = vector.load %arg2[%swap3A, %swap3A_8] : memref<1600x128xf32, #tpu.memory_space<vmem>>, vector<1600x128xf32>
    tpu.vector_store %arg2[%swap3A, %swap3A_8], %concatenate3A {strides = array<i32>} : memref<1600x128xf32, #tpu.memory_space<vmem>>, vector<1600x128xf32>,
    return
  }
  func.func @transform_0(%arg0: i32) -> (i32, i32) {
    %c0_i32 = arith.constant 0 : i32
    %c0_i32_0 = arith.constant 0 : i32
    return %c0_i32, %arg0 : i32, i32
  }
  func.func @transform_1(%arg0: i32) -> (i32, i32) {
    %c0_i32 = arith.constant 0 : i32
    %c0_i32_0 = arith.constant 0 : i32
    return %arg0, %c0_i32 : i32, i32
  }
}

module attributes {stable_mosaic.version = 14 : i64} {
  func.func @body(%arg0: i32, %arg1: memref<1x4096x128xf32, #tpu.memory_space<vmem>>, %arg2: memref<1x32x16384xf32, #tpu.memory_space<vmem>>) attributes {dimension_semantics = [#tpu.dimension_semantics<arbitrary>], iteration_bounds = array<i64: 200>, scalar_prefetch = 0 : i64, scratch_operands = 0 : i64, tpu.core_type = #tpu.core_type<tc>, window_params = [{transform_indices = @transform_0, window_bounds = array<i64: 1, 4096, 128>}, {transform_indices = @transform_1, window_bounds = array<i64: 1, 32, 16384>}]} {
    %get3A = arith.constant 0 : index
    %get3A_0 = arith.constant 0 : index
    %get3A_1 = arith.constant 0 : index
    %get3A_2 = vector.load %arg1[%get3A, %get3A_0, %get3A_1] : memref<1x4096x128xf32, #tpu.memory_space<vmem>>, vector<1x4096x128xf32>
    %get3A_3 = vector.shape_cast %get3A_2 : vector<1x4096x128xf32> to vector<4096x128xf32>
    %transpose3A = tpu.transpose %get3A_3, [1, 0] : vector<4096x128xf32> -> vector<128x4096xf32>
    %reshape3A = vector.shape_cast %transpose3A : vector<128x4096xf32> to vector<4x32x4096xf32>
    %slice3A = vector.extract_strided_slice %reshape3A {offsets = [0, 0, 0], sizes = [1, 32, 4096], strides = [1, 1, 1]} : vector<4x32x4096xf32> to vector<1x32x4096xf32>
    %squeeze3A = vector.shape_cast %slice3A : vector<1x32x4096xf32> to vector<32x4096xf32>
    %slice3A_4 = vector.extract_strided_slice %reshape3A {offsets = [1, 0, 0], sizes = [1, 32, 4096], strides = [1, 1, 1]} : vector<4x32x4096xf32> to vector<1x32x4096xf32>
    %squeeze3A_5 = vector.shape_cast %slice3A_4 : vector<1x32x4096xf32> to vector<32x4096xf32>
    %slice3A_6 = vector.extract_strided_slice %reshape3A {offsets = [2, 0, 0], sizes = [1, 32, 4096], strides = [1, 1, 1]} : vector<4x32x4096xf32> to vector<1x32x4096xf32>
    %squeeze3A_7 = vector.shape_cast %slice3A_6 : vector<1x32x4096xf32> to vector<32x4096xf32>
    %slice3A_8 = vector.extract_strided_slice %reshape3A {offsets = [3, 0, 0], sizes = [1, 32, 4096], strides = [1, 1, 1]} : vector<4x32x4096xf32> to vector<1x32x4096xf32>
    %squeeze3A_9 = vector.shape_cast %slice3A_8 : vector<1x32x4096xf32> to vector<32x4096xf32>
    %concatenate3A = tpu.concatenate %squeeze3A, %squeeze3A_5, %squeeze3A_7, %squeeze3A_9 in 1 : vector<32x4096xf32>, vector<32x4096xf32>, vector<32x4096xf32>, vector<32x4096xf32> -> vector<32x16384xf32>
    %swap3A = arith.constant 0 : index
    %swap3A_10 = arith.constant 0 : index
    %swap3A_11 = arith.constant 0 : index
    %swap3A_12 = vector.load %arg2[%swap3A, %swap3A_10, %swap3A_11] : memref<1x32x16384xf32, #tpu.memory_space<vmem>>, vector<1x32x16384xf32>
    %swap3A_13 = vector.shape_cast %swap3A_12 : vector<1x32x16384xf32> to vector<32x16384xf32>
    %swap3A_14 = vector.shape_cast %concatenate3A : vector<32x16384xf32> to vector<1x32x16384xf32>
    tpu.vector_store %arg2[%swap3A, %swap3A_10, %swap3A_11], %swap3A_14 {strides = array<i32>} : memref<1x32x16384xf32, #tpu.memory_space<vmem>>, vector<1x32x16384xf32>,
    return
  }
  func.func @transform_0(%arg0: i32) -> (i32, i32, i32) {
    %c0_i32 = arith.constant 0 : i32
    %c0_i32_0 = arith.constant 0 : i32
    %c0_i32_1 = arith.constant 0 : i32
    return %arg0, %c0_i32, %c0_i32_0 : i32, i32, i32
  }
  func.func @transform_1(%arg0: i32) -> (i32, i32, i32) {
    %c0_i32 = arith.constant 0 : i32
    %c0_i32_0 = arith.constant 0 : i32
    %c0_i32_1 = arith.constant 0 : i32
    return %arg0, %c0_i32, %c0_i32_0 : i32, i32, i32
  }
}

</mosaic_0001>

<sc_bundles>
// kernel: gather_offload_async_start
scs
__scs_entry_jumppad:
0x0: {  	(pc) =	sbr.rel $0x88, $3  }
0x1: {  	(tag) =	ssettag $0x0;
	lr =	simm.s32 $0x1  }
0x2: {  	[smem:$0x3F9F] =	sst lr;
	_ =	strace $0xD0000000  }
0x3: {  	_ = 	snop  }
0x4: {  	_ = 	snop  }
0x5: {  	_ = 	snop  }
0x6: {  	_ = 	snop  }
0x7: {  	_ = 	snop  }
__scs_overlays_trampoline_lowered:
0x8: {  	[smem:$0x3FAE] =	sst s0  }
0x9: {  	[smem:$0x3FAF] =	sst s1  }
0xa: {  	[smem:$0x3FB0] =	sst s2  }
0xb: {  	[smem:$0x3FB1] =	sst s3  }
0xc: {  	[smem:$0x3FB2] =	sst s4  }
0xd: {  	[smem:$0x3FB3] =	sst s5  }
0xe: {  	[smem:$0x3FB4] =	sst s6  }
0xf: {  	[smem:$0x3FB5] =	sst s7  }
0x10: {  	[smem:$0x3FB6] =	sst s8  }
0x11: {  	[smem:$0x3FB7] =	sst s9;
	s0 =	simm.s32 @!p0 $0x0  }
0x12: {  	s1 =	sld [smem:$0x3F9D];
	s0 =	simm.s32 @p0 $0x1  }
0x13: {  	[smem:$0x3FB8] =	sst s0;
	s0 =	simm.s32 @!p1 $0x0  }
0x14: {  	s2 =	sld [smem:$0x3F9C];
	s0 =	simm.s32 @p1 $0x1  }
0x15: {  	[smem:$0x3FB9] =	sst s0;
	s0 =	simm.s32 @!p2 $0x0  }
0x16: {  	s3 =	sld [smem:$0x3FDB];
	s0 =	simm.s32 @p2 $0x1  }
0x17: {  	s4 =	simm.s32 $0x1BF5;
	[smem:$0x3FBB] =	sst s0  }
0x18: {  	s0 =	sld [smem:$0x3F9E];
	_ =	swait.ge [sflag:s4], $0x0  }
0x19: {  	s7 =	sld [smem:$0x3F9F]  }
0x1a: {  	s8 =	sadd.s32 $0xFFFFE003, lr  }
0x1b: {  	s9 =	sadd.s32 $0xFFFFFEF7, lr;
	s5 =	simm.s32 $0xFFFFFFFF;
	p2 =	slt.u32 s8, $0xFFFFF086  }
0x1c: {  	p1 =	slt.u32 s9, $0xF7A;
	s5 =	simm.s32 @!p2 $0x0  }
0x1d: {  	s5 =	simm.s32 @p1 $0x1;
	p0 =	seq.s32 s7, s2  }
0x1e: {  	s7 =	smul.u32 @!p0 $0xF7A, s2;
	p2 =	seq.s32 @!p0 s5, $0x0  }
0x1f: {  	s9 =	smul.u32 $0xF7A, s1;
	s8 =	simm.s32 @!p0 $0x1BF5;
	p2 =	por !p2, p0  }
0x20: {  	[sflag:s8] =	ssyncset.s32 @!p0 $0xFFFFF086;
	s6 =	sadd.s32 @!p0 s3, s7;
	s7 =	simm.s32 @!p0 $0x108  }
0x21: {  	s3 =	sadd.s32 s3, s9;
	s6 =	sadd.s32 @!p0 $0x88, s6;
	s7 =	simm.s32 @p2 $0x1082  }
0x22: {  	[simem:s7], [sflag:s8] =	dma.local @!p0 [hbm:s6], $0xF7A  }
0x23: {  	s9 =	sor.u32 $0xD0000000, s2;
	s6 =	simm.s32 $0x108;
	_ =	swait.ge @!p0 [sflag:s8], $0x0  }
0x24: {  	s3 =	sadd.s32 $0x88, s3;
	s6 =	simm.s32 @!p1 $0x1082;
	[sflag:s4] =	ssyncset.s32 $0xFFFFF086  }
0x25: {  	[simem:s6], [sflag:s4] =	dma.local [hbm:s3], $0xF7A  }
0x26: {  	[smem:$0x3F9F] =	sst s1;
	(tag) =	ssettag s2;
	_ =	strace s9  }
0x27: {  	s1 =	sld [smem:$0x3FAF]  }
0x28: {  	s2 =	sld [smem:$0x3FB0]  }
0x29: {  	s4 =	sld [smem:$0x3FB2]  }
0x2a: {  	p0 =	seq.s32 s5, $0x0;
	s5 =	sld [smem:$0x3FB3]  }
0x2b: {  	s6 =	sld [smem:$0x3FB4]  }
0x2c: {  	s7 =	sld [smem:$0x3FB5]  }
0x2d: {  	s3 =	simm.s32 $0x108;
	s8 =	sld [smem:$0x3FB6]  }
0x2e: {  	s3 =	simm.s32 @!p0 $0x1082;
	s9 =	sld [smem:$0x3FB7]  }
0x2f: {  	lr =	sadd.s32 s0, s3;
	s0 =	sld [smem:$0x3FAE]  }
0x30: {  	s3 =	sld [smem:$0x3FB1]  }
0x31: {  	[smem:$0x3FBA] =	sst s10  }
0x32: {  	s10 =	sld [smem:$0x3FB8];
	_ =	sdelay $0x3  }
0x33: {  	p0 =	seq.s32 s10, $0x1;
	s10 =	sld [smem:$0x3FBA];
	_ =	sdelay $0x3  }
0x34: {  	[smem:$0x3FBA] =	sst s10  }
0x35: {  	s10 =	sld [smem:$0x3FB9];
	_ =	sdelay $0x3  }
0x36: {  	p1 =	seq.s32 s10, $0x1;
	s10 =	sld [smem:$0x3FBA];
	_ =	sdelay $0x3  }
0x37: {  	[smem:$0x3FBA] =	sst s10  }
0x38: {  	s10 =	sld [smem:$0x3FBB]  }
0x39: {  	_ = 	snop;
	(pc) =	sbr.ind lr, $3  }
0x3a: {  	_ = 	snop  }
0x3b: {  	_ = 	snop  }
0x3c: {  	p2 =	seq.s32 s10, $0x1;
	s10 =	sld [smem:$0x3FBA]  }
0x3d: {  	_ =	shalt  }
0x3e: {  	_ =	shalt  }
0x3f: {  	_ =	shalt  }
0x40: {  	_ =	shalt  }
0x41: {  	_ =	shalt  }
0x42: {  	_ =	shalt  }
0x43: {  	_ =	shalt  }
0x44: {  	_ =	shalt  }
0x45: {  	_ =	shalt  }
0x46: {  	_ =	shalt  }
0x47: {  	_ =	shalt  }
0x48: {  	_ =	shalt  }
0x49: {  	_ =	shalt  }
0x4a: {  	_ =	shalt  }
0x4b: {  	_ =	shalt  }
0x4c: {  	_ =	shalt  }
0x4d: {  	_ =	shalt  }
0x4e: {  	_ =	shalt  }
0x4f: {  	_ =	shalt  }
0x50: {  	_ =	shalt  }
0x51: {  	_ =	shalt  }
0x52: {  	_ =	shalt  }
0x53: {  	_ =	shalt  }
0x54: {  	_ =	shalt  }
0x55: {  	_ =	shalt  }
0x56: {  	_ =	shalt  }
0x57: {  	_ =	shalt  }
0x58: {  	_ =	shalt  }
0x59: {  	_ =	shalt  }
0x5a: {  	_ =	shalt  }
0x5b: {  	_ =	shalt  }
0x5c: {  	_ =	shalt  }
0x5d: {  	_ =	shalt  }
0x5e: {  	_ =	shalt  }
0x5f: {  	_ =	shalt  }
0x60: {  	_ =	shalt  }
0x61: {  	_ =	shalt  }
0x62: {  	_ =	shalt  }
0x63: {  	_ =	shalt  }
0x64: {  	_ =	shalt  }
0x65: {  	_ =	shalt  }
0x66: {  	_ =	shalt  }
0x67: {  	_ =	shalt  }
0x68: {  	_ =	shalt  }
0x69: {  	_ =	shalt  }
0x6a: {  	_ =	shalt  }
0x6b: {  	_ =	shalt  }
0x6c: {  	_ =	shalt  }
0x6d: {  	_ =	shalt  }
0x6e: {  	_ =	shalt  }
0x6f: {  	_ =	shalt  }
0x70: {  	_ =	shalt  }
0x71: {  	_ =	shalt  }
0x72: {  	_ =	shalt  }
0x73: {  	_ =	shalt  }
0x74: {  	_ =	shalt  }
0x75: {  	_ =	shalt  }
0x76: {  	_ =	shalt  }
0x77: {  	_ =	shalt  }
0x78: {  	_ =	shalt  }
0x79: {  	_ =	shalt  }
0x7a: {  	_ =	shalt  }
0x7b: {  	_ =	shalt  }
0x7c: {  	_ =	shalt  }
0x7d: {  	_ =	shalt  }
0x7e: {  	_ =	shalt  }
0x7f: {  	_ =	shalt  }
0x80: {  	_ =	shalt  }
0x81: {  	_ =	shalt  }
0x82: {  	_ =	shalt  }
0x83: {  	_ =	shalt  }
0x84: {  	_ =	shalt  }
0x85: {  	_ =	shalt  }
0x86: {  	_ =	shalt  }
0x87: {  	_ =	shalt  }
.Lfunc_end0:
.L_simem_size_0:
called_computation_lowered:
.L_overlay_start_0:
0x88: {  	s2 =	sld [smem:$0x3FD9]  }
0x89: {  	s3 =	sld [smem:$0x3FFE];
	_ =	sdelay $0x1  }
0x8a: {  	s1 =	srdreg.scid  }
0x8b: {  	s0 =	sand.u32 $0x1, s1  }
0x8c: {  	s16 =	sshll.u32 s0, $0xA;
	s2 =	sadd.s32 s3, s2  }
0x8d: {  	s2 =	sadd.s32 s2, s16  }
0x8e: {  	[smem:$0x3FC6] =	sst s2  }
0x8f: {  	_ = 	snop  }
0x90: {  	(tm) =	ssettm $0x1  }
0x91: {  	s17 =	sld [smem:$0x3FFB];
	_ =	sdelay $0x3  }
0x92: {  	_ =	strace s17  }
0x93: {  	s2 =	sld [smem:$0x3FFC];
	_ =	sdelay $0x3  }
0x94: {  	_ =	strace s2  }
0x95: {  	s2 =	sld [smem:$0x3FFD];
	_ =	sdelay $0x3  }
0x96: {  	_ =	strace s2  }
0x97: {  	_ =	strace $0x8FFFFFFF  }
0x98: {  	s18 =	sld [smem:$0x3FDB];
	_ =	sdelay $0x1  }
0x99: {  	s19 =	simm.s32 $_scs_section_size  }
0x9a: {  	s4 =	simm.s32 $_size__tile_overlayer_lowered;
	s5 =	simm.s32 $_tile_overlayer_lowered  }
0x9b: {  	s22 =	simm.s32 $0x1BFF;
	s21 =	sshll.u32 s5, $0x1;
	s2 =	sadd.s32 s19, s18  }
0x9c: {  	s6 =	simm.s32 $0x0;
	s20 =	sshll.u32 s4, $0x1;
	s4 =	sadd.s32 s21, s2  }
0x9d: {  	[timem:s6], [sflag:s22] =	dma.local [hbm:s4], s20  }
0x9e: {  	_ =	swait.ge [sflag:s22], s20  }
0x9f: {  	s3 =	ssub.s32 $0x0, s20;
	[sflag:s22] =	ssyncset.done $0x0  }
0xa0: {  	[sflag:s22] =	ssyncadd.s32 s3;
	_ =	sdelay $0x1  }
0xa1: {  	s23 =	simm.s32 $0x1B8B  }
0xa2: {  	_ =	swait.ge [sflag:s23], $0x1  }
0xa3: {  	[sflag:s23] =	ssyncset.done $0x0  }
0xa4: {  	s25 =	simm.s32 $0x1B8E;
	s24 =	sld [smem:$0x3FFE];
	[sflag:s23] =	ssyncadd.s32 $0xFFFFFFFF  }
0xa5: {  	s26 =	simm.s32 $execute0_lowered;
	[smem:$0x3FD2] =	sst s25  }
0xa6: {  	s4 =	sshll.u32 s26, $0x1;
	_ =	strace $0x80000046;
	[dreg:$0x1] =	wrdreg $0xFFFFFFFF  }
0xa7: {  	s28 =	simm.s32 $_size_execute0_lowered;
	s2 =	sadd.s32 s2, s4;
	[dreg:$0x0] =	wrdreg $0x0  }
0xa8: {  	s4 =	sshll.u32 s28, $0x1;
	[dreg:$0x2] =	wrdreg s2  }
0xa9: {  	[dreg:$0x3] =	wrdreg s4  }
0xaa: {  	[dreg:$0x4] =	wrdreg $0xC0  }
0xab: {  	_ =	task [dreg:s6], $0x5FFFF  }
0xac: {  	[dreg:$0x1] =	wrdreg $0xFFFFFFFF  }
0xad: {  	[dreg:$0x0] =	wrdreg $0x60  }
0xae: {  	[dreg:$0x2] =	wrdreg s24  }
0xaf: {  	[dreg:$0x3] =	wrdreg $0x9  }
0xb0: {  	_ =	task.clear_ibuf [dreg:s6], $0x4FFFF;
	_ =	strace $0x90000046  }
0xb1: {  	s29 =	simm.s32 $0x9;
	_ =	strace $0x80000048  }
0xb2: {  	_ =	swait.ge [sflag:s29], $0x1  }
0xb3: {  	[sflag:s29] =	ssyncadd.s32 $0xFFFFFFFF  }
0xb4: {  	_ =	strace $0x90000048  }
0xb5: {  	_ =	sfence  }
0xb6: {  	s30 =	sld [smem:$0x0];
	_ =	sdelay $0x2  }
0xb7: {  	s31 =	sshll.u32 s1, $0xD;
	s1 =	sshrl.u32 s1, $0x2  }
0xb8: {  	s3 =	sand.u32 $0x4000, s31;
	s1 =	sadd.s32 s1, s30  }
0xb9: {  	s0 =	sor.u32 s3, s0;
	s1 =	sshll.u32 s1, $0x11  }
0xba: {  	s0 =	sor.u32 s1, s0  }
0xbb: {  	s0 =	sadd.s32 $0x8F2B, s0  }
0xbc: {  	[sflag:s0] =	ssyncadd.remote.s32 $0x1  }
0xbd: {  	_ =	sfence.sel $0xFFFF  }
0xbe: {  	[dreg:$0x0] =	wrdreg $0xFFFFFFFF;
	(pc) =	sbr.abs _section_cstart, $3  }
0xbf: {  	[dreg:$0x1] =	wrdreg $0xFFFFFFFF  }
0xc0: {  	_ =	task.clear_ibuf [dreg:s6], $0x2FFFF;
	_ =	strace $0x9FFFFFFF  }
0xc1: {  	(tm) =	ssettm $0x7FFFFFFF  }
tec
execute0_lowered:
.L_overlay_start_1:
0x0: {  	(tag) =	ssettag $0x1  }
0x1: {  	s0 =	srdreg.scid;
	s5 =	rddreg [dreg:$0x0]  }
0x2: {  	s1 =	stileid.u32;
	s6 =	simm.s32 $0x1;
	s9 =	simm.s32 $0x1  }
0x3: {  	s10 =	simm.s32 $0x3;
	s13 =	simm.s32 $0x0;
	s2 =	sshll.u32 s0, $0xF  }
0x4: {  	s12 =	simm.s32 $0x0;
	s3 =	sshll.u32 s1, $0x10;
	s2 =	sand.u32 $0x8000, s2  }
0x5: {  	s0 =	rddreg [dreg:$0x1];
	_ =	strace $0x80000047;
	s2 =	sor.u32 s3, s2  }
0x6: {  	s4 =	sadd.s32 $0x64A00, s5;
	[sflag:s6] =	ssyncpa.u1 $0x0;
	s8 =	ssub.s32 $0x320000, s2  }
.Ltmp0:
0x7: {  	s3 =	sadd.s32 $0xA00, s5;
	s7 =	sand.u32 $0xF8000, s8;
	(pc) =	sbr.rel .LBB2_1-.Ltmp0, $4  }
0x8: {  	s5 =	sadd.s32 $0xC8A00, s5;
	s11 =	smov.u32 s2;
	p0 =	sne.s32 s7, $0x0  }
0x9: {  	s8 =	sshrl.u32 s8, $0x14;
	s7 =	simm.s32 $0x2;
	s9 =	simm.s32 @!p0 $0x0  }
0xa: {  	[sflag:s7] =	ssyncpa.u1 $0x0;
	p0 =	por $0x0, $0x0;
	s8 =	sadd.s32 s9, s8  }
0xb: {  	vm0 =	vmmov $0xffff;
	[sflag:s10] =	ssyncpa.u1 $0x0;
	s10 =	simm.s32 $0x0;
	s9 =	sadd.s32 $0x1, s8  }
.LBB2_4:
0xc: {  	v2 =	vnsel vm1, $0x0, v2  }
0xd: {  	vm1 =	vgt.s32 v0, $0x0;
	v2 =	vmin.u32 v2, $0x31FFFF  }
0xe: {  	v0 =	vnsel vm1, $0x0, v0  }
0xf: {  	v0 =	vmin.u32 v0, $0x31FFFF  }
0x10: {  	[tilespmem:s15], [sflag:$0x1] =	stream.indirect_vreg.gather [hbm4b:s3+s10], $0x1, v1, vm0, $0x4038;
	v63 =	vld [tilespmem:$0x0]  }
0x11: {  	(ifvalue) =	ssetifvalue $0x7FFFFFFF  }
0x12: {  	[tilespmem:s16], [sflag:$0x1] =	stream.indirect_vreg.gather [hbm4b:s3+s10], $0x1, v2, vm0, $0x4038;
	v63 =	vld [tilespmem:$0x0]  }
0x13: {  	s29 =	sadd.s32 $0x10, s16;
	(ifvalue) =	ssetifvalue $0x7FFFFFFF  }
0x14: {  	[tilespmem:s29], [sflag:$0x1] =	stream.indirect_vreg.gather [hbm4b:s3+s10], $0x1, v0, vm0, $0x4038;
	v63 =	vld [tilespmem:$0x0]  }
0x15: {  	_ =	swait.ge [sflag:s6], $0x8000  }
0x16: {  	s30 =	sshrl.u32 s13, $0x3;
	[sflag:s6] =	ssyncset.done $0x0  }
0x17: {  	s31 =	sand.u32 $0x7, s13;
	s15 =	sadd.s32 s5, s30;
	[sflag:s6] =	ssyncadd.s32 $0xFFFF8000  }
0x18: {  	[hbm4b:s15+s31] =	stream.linear.scatter [tilespmem:s14], [sflag:$0x3], $0x8000, $0x38;
	v63 =	vld [tilespmem:$0x0]  }
.LBB2_5:
0x19: {  	s15 =	sadd.s32 $0x100000, s11  }
0x1a: {  	p2 =	sgt.s32 s15, $0x31FFFF  }
0x1b: {  	s15 =	smov.u32 @p2 s2;
	p2 =	sne.s32 s12, s9  }
.Ltmp1:
0x1c: {  	p1 =	slt.u32 s12, $0x2;
	(pc) =	sbr.rel @!p2 .LBB2_6-.Ltmp1, $4  }
0x1d: {  	s14 =	simm.s32 @!p1 $0x3  }
0x1e: {  	s16 =	sadd.s32 $0x1, s12;
	_ =	swait.ge @!p1 [sflag:s14], $0x8000  }
0x1f: {  	s13 =	smov.u32 s11;
	p0 =	por !p0, !p0;
	[sflag:s14] =	ssyncset.done @!p1 $0x0  }
0x20: {  	s12 =	smov.u32 s16;
	s11 =	smov.u32 s15;
	[sflag:s14] =	ssyncadd.s32 @!p1 $0xFFFF8000  }
.LBB2_1:
0x21: {  	p1 =	sge.u32 s12, s8  }
0x22: {  	s14 =	sxor.u32 @!p1 $0xFFFFFFFF, s12  }
0x23: {  	s31 =	sadd.s32 $0xFFFFFFFF, s12;
	s15 =	sshrl.u32 @!p1 s11, $0x3;
	s14 =	sshll.u32 @!p1 s14, $0xF  }
0x24: {  	s16 =	sand.u32 @!p1 $0x7, s11;
	s15 =	sadd.s32 @!p1 s4, s15;
	s14 =	sand.u32 @!p1 $0x8000, s14  }
0x25: {  	[tilespmem:s14], [sflag:$0x2] =	stream.linear.gather @!p1 [hbm4b:s15+s16], $0x8000, $0x38;
	v63 =	vld [tilespmem:$0x0]  }
0x26: {  	p1 =	sge.u32 s31, s8  }
.Ltmp2:
0x27: {  	_ = 	snop;
	(pc) =	sbr.rel @p1 .LBB2_5-.Ltmp2, $1  }
0x28: {  	_ =	sdelay $0x3  }
0x29: {  	s14 =	simm.s32 $0x1  }
0x2a: {  	_ =	swait.ge [sflag:s7], $0x8000;
	s14 =	simm.s32 @!p0 $0x0  }
0x2b: {  	[sflag:s7] =	ssyncset.done $0x0;
	s14 =	sshll.u32 s14, $0xF  }
0x2c: {  	[sflag:s7] =	ssyncadd.s32 $0xFFFF8000;
	(ifvalue) =	ssetifvalue $0x7FFFFFFF;
	v0 =	vld.msk [tilespmem:s14+$0x0 ss:$0x1], $0xffff;
	_ =	sdelay $0x4  }
0x2d: {  	s15 =	sadd.s32 $0x10, s14;
	vm1 =	vgt.s32 v0, $0x0  }
0x2e: {  	v2 =	vld.msk [tilespmem:s15+$0x0 ss:$0x1], $0xffff;
	v1 =	vnsel vm1, $0x0, v0  }
0x2f: {  	v1 =	vmin.u32 v1, $0x31FFFF;
	_ =	sdelay $0x1  }
0x30: {  	s16 =	sshll.u32 s12, $0xF;
	s18 =	simm.s32 $0x20  }
0x31: {  	s16 =	sand.u32 $0x8000, s16;
	s17 =	sadd.s32 $0x10, s15;
	s15 =	sor.u32 $0x10000, s14  }
0x32: {  	s14 =	sor.u32 $0x10000, s16;
	s16 =	sadd.s32 $0x10, s15;
	v0 =	vld.msk [tilespmem:s17+$0x0 ss:$0x1], $0xffff;
	vm1 =	vgt.s32 v2, $0x0;
	(ifvalue) =	ssetifvalue $0x7FFFFFFF  }
.LBB2_3:
0x33: {  	[tilespmem:s15], [sflag:$0x1] =	stream.indirect_vreg.gather [hbm4b:s3+s10], $0x1, v1, vm0, $0x4038;
	v63 =	vld [tilespmem:$0x0]  }
0x34: {  	s18 =	sadd.s32 $0x10, s18  }
0x35: {  	v2 =	vnsel vm1, $0x0, v2;
	p1 =	slt.u32 s18, $0x7FF0  }
.Ltmp3:
0x36: {  	s15 =	smov.u32 s16;
	v1 =	vmin.u32 v2, $0x31FFFF;
	(pc) =	sbr.rel @p1 .LBB2_3-.Ltmp3, $3  }
0x37: {  	_ =	sdelay $0x1  }
0x38: {  	s17 =	sadd.s32 $0x10, s17  }
0x39: {  	vm1 =	vgt.s32 v0, $0x0;
	s16 =	sadd.s32 $0x10, s16;
	v2 =	vmov v0;
	(ifvalue) =	ssetifvalue $0x7FFFFFFF;
	v0 =	vld.msk [tilespmem:s17+$0x0 ss:$0x1], $0xffff  }
.Ltmp4:
0x3a: {  	_ = 	snop;
	(pc) =	sbr.rel .LBB2_4-.Ltmp4, $1  }
0x3b: {  	_ =	sdelay $0x3  }
.LBB2_6:
0x3c: {  	_ =	sfence.sel $0x180000  }
0x3d: {  	s2 =	simm.s32 $0x2;
	[bflag:$0x0] =	sbarrier.arrive $0xFFFF  }
0x3e: {  	s30 =	simm.s32 $0x3;
	[sflag:s2] =	ssyncpa.u1 $0x1  }
0x3f: {  	s31 =	simm.s32 $0x1;
	[sflag:s30] =	ssyncpa.u1 $0x1  }
0x40: {  	[sflag:s31] =	ssyncpa.u1 $0x1  }
0x41: {  	p0 =	sne.s32 s1, $0x0;
	_ =	strace $0x90000047  }
0x42: {  	s0 =	sadd.s32 @!p0 $0x100000, s0;
	[bflag:$0x2] =	sbarrier.arrive $0xFFFF  }
0x43: {  	[sflag:s0] =	ssyncadd.tile.s32 @!p0 $0x1;
	_ =	shalt  }
.Lfunc_end2:
_tile_overlayer_lowered:
.L_overlay_start_2:
0x44: {  	(tag) =	ssettag $0x2  }
0x45: {  	s0 =	rddreg [dreg:$0x0];
	s2 =	stileid.u32  }
0x46: {  	s1 =	rddreg [dreg:$0x1];
	p0 =	sne.s32 s2, $0x0  }
0x47: {  	s3 =	rddreg [dreg:$0x2];
	[bflag:$0x3] =	sbarrier.arrive $0xFFFF;
	s2 =	simm.s32 @!p0 $0x1C01  }
0x48: {  	[timem:s3], [sflag:s2] =	dma.local @!p0 [hbm:s0], s1  }
0x49: {  	s0 =	simm.s32 @!p0 $0x1  }
0x4a: {  	_ =	swait.ge @!p0 [sflag:s0], s1  }
0x4b: {  	s1 =	ssub.s32 @!p0 $0x0, s1;
	[sflag:s0] =	ssyncset.done @!p0 $0x0  }
0x4c: {  	[sflag:s0] =	ssyncadd.s32 @!p0 s1  }
0x4d: {  	[bflag:$0x3] =	sbarrier.arrive $0xFFFF  }
0x4e: {  	_ =	shalt  }

// kernel: kernel.5.cloned.1.call-start
scs
__scs_entry_jumppad:
0x0: {  	(pc) =	sbr.rel $0x88, $3  }
0x1: {  	(tag) =	ssettag $0x0;
	lr =	simm.s32 $0x1  }
0x2: {  	[smem:$0x3F9F] =	sst lr;
	_ =	strace $0xD0000000  }
0x3: {  	_ = 	snop  }
0x4: {  	_ = 	snop  }
0x5: {  	_ = 	snop  }
0x6: {  	_ = 	snop  }
0x7: {  	_ = 	snop  }
__scs_overlays_trampoline_lowered:
0x8: {  	[smem:$0x3FAE] =	sst s0  }
0x9: {  	[smem:$0x3FAF] =	sst s1  }
0xa: {  	[smem:$0x3FB0] =	sst s2  }
0xb: {  	[smem:$0x3FB1] =	sst s3  }
0xc: {  	[smem:$0x3FB2] =	sst s4  }
0xd: {  	[smem:$0x3FB3] =	sst s5  }
0xe: {  	[smem:$0x3FB4] =	sst s6  }
0xf: {  	[smem:$0x3FB5] =	sst s7  }
0x10: {  	[smem:$0x3FB6] =	sst s8  }
0x11: {  	[smem:$0x3FB7] =	sst s9;
	s0 =	simm.s32 @!p0 $0x0  }
0x12: {  	s1 =	sld [smem:$0x3F9D];
	s0 =	simm.s32 @p0 $0x1  }
0x13: {  	[smem:$0x3FB8] =	sst s0;
	s0 =	simm.s32 @!p1 $0x0  }
0x14: {  	s2 =	sld [smem:$0x3F9C];
	s0 =	simm.s32 @p1 $0x1  }
0x15: {  	[smem:$0x3FB9] =	sst s0;
	s0 =	simm.s32 @!p2 $0x0  }
0x16: {  	s3 =	sld [smem:$0x3FDB];
	s0 =	simm.s32 @p2 $0x1  }
0x17: {  	s4 =	simm.s32 $0x1BF5;
	[smem:$0x3FBB] =	sst s0  }
0x18: {  	s0 =	sld [smem:$0x3F9E];
	_ =	swait.ge [sflag:s4], $0x0  }
0x19: {  	s7 =	sld [smem:$0x3F9F]  }
0x1a: {  	s8 =	sadd.s32 $0xFFFFE003, lr  }
0x1b: {  	s9 =	sadd.s32 $0xFFFFFEF7, lr;
	s5 =	simm.s32 $0xFFFFFFFF;
	p2 =	slt.u32 s8, $0xFFFFF086  }
0x1c: {  	p1 =	slt.u32 s9, $0xF7A;
	s5 =	simm.s32 @!p2 $0x0  }
0x1d: {  	s5 =	simm.s32 @p1 $0x1;
	p0 =	seq.s32 s7, s2  }
0x1e: {  	s7 =	smul.u32 @!p0 $0xF7A, s2;
	p2 =	seq.s32 @!p0 s5, $0x0  }
0x1f: {  	s9 =	smul.u32 $0xF7A, s1;
	s8 =	simm.s32 @!p0 $0x1BF5;
	p2 =	por !p2, p0  }
0x20: {  	[sflag:s8] =	ssyncset.s32 @!p0 $0xFFFFF086;
	s6 =	sadd.s32 @!p0 s3, s7;
	s7 =	simm.s32 @!p0 $0x108  }
0x21: {  	s3 =	sadd.s32 s3, s9;
	s6 =	sadd.s32 @!p0 $0x88, s6;
	s7 =	simm.s32 @p2 $0x1082  }
0x22: {  	[simem:s7], [sflag:s8] =	dma.local @!p0 [hbm:s6], $0xF7A  }
0x23: {  	s9 =	sor.u32 $0xD0000000, s2;
	s6 =	simm.s32 $0x108;
	_ =	swait.ge @!p0 [sflag:s8], $0x0  }
0x24: {  	s3 =	sadd.s32 $0x88, s3;
	s6 =	simm.s32 @!p1 $0x1082;
	[sflag:s4] =	ssyncset.s32 $0xFFFFF086  }
0x25: {  	[simem:s6], [sflag:s4] =	dma.local [hbm:s3], $0xF7A  }
0x26: {  	[smem:$0x3F9F] =	sst s1;
	(tag) =	ssettag s2;
	_ =	strace s9  }
0x27: {  	s1 =	sld [smem:$0x3FAF]  }
0x28: {  	s2 =	sld [smem:$0x3FB0]  }
0x29: {  	s4 =	sld [smem:$0x3FB2]  }
0x2a: {  	p0 =	seq.s32 s5, $0x0;
	s5 =	sld [smem:$0x3FB3]  }
0x2b: {  	s6 =	sld [smem:$0x3FB4]  }
0x2c: {  	s7 =	sld [smem:$0x3FB5]  }
0x2d: {  	s3 =	simm.s32 $0x108;
	s8 =	sld [smem:$0x3FB6]  }
0x2e: {  	s3 =	simm.s32 @!p0 $0x1082;
	s9 =	sld [smem:$0x3FB7]  }
0x2f: {  	lr =	sadd.s32 s0, s3;
	s0 =	sld [smem:$0x3FAE]  }
0x30: {  	s3 =	sld [smem:$0x3FB1]  }
0x31: {  	[smem:$0x3FBA] =	sst s10  }
0x32: {  	s10 =	sld [smem:$0x3FB8];
	_ =	sdelay $0x3  }
0x33: {  	p0 =	seq.s32 s10, $0x1;
	s10 =	sld [smem:$0x3FBA];
	_ =	sdelay $0x3  }
0x34: {  	[smem:$0x3FBA] =	sst s10  }
0x35: {  	s10 =	sld [smem:$0x3FB9];
	_ =	sdelay $0x3  }
0x36: {  	p1 =	seq.s32 s10, $0x1;
	s10 =	sld [smem:$0x3FBA];
	_ =	sdelay $0x3  }
0x37: {  	[smem:$0x3FBA] =	sst s10  }
0x38: {  	s10 =	sld [smem:$0x3FBB]  }
0x39: {  	_ = 	snop;
	(pc) =	sbr.ind lr, $3  }
0x3a: {  	_ = 	snop  }
0x3b: {  	_ = 	snop  }
0x3c: {  	p2 =	seq.s32 s10, $0x1;
	s10 =	sld [smem:$0x3FBA]  }
0x3d: {  	_ =	shalt  }
0x3e: {  	_ =	shalt  }
0x3f: {  	_ =	shalt  }
0x40: {  	_ =	shalt  }
0x41: {  	_ =	shalt  }
0x42: {  	_ =	shalt  }
0x43: {  	_ =	shalt  }
0x44: {  	_ =	shalt  }
0x45: {  	_ =	shalt  }
0x46: {  	_ =	shalt  }
0x47: {  	_ =	shalt  }
0x48: {  	_ =	shalt  }
0x49: {  	_ =	shalt  }
0x4a: {  	_ =	shalt  }
0x4b: {  	_ =	shalt  }
0x4c: {  	_ =	shalt  }
0x4d: {  	_ =	shalt  }
0x4e: {  	_ =	shalt  }
0x4f: {  	_ =	shalt  }
0x50: {  	_ =	shalt  }
0x51: {  	_ =	shalt  }
0x52: {  	_ =	shalt  }
0x53: {  	_ =	shalt  }
0x54: {  	_ =	shalt  }
0x55: {  	_ =	shalt  }
0x56: {  	_ =	shalt  }
0x57: {  	_ =	shalt  }
0x58: {  	_ =	shalt  }
0x59: {  	_ =	shalt  }
0x5a: {  	_ =	shalt  }
0x5b: {  	_ =	shalt  }
0x5c: {  	_ =	shalt  }
0x5d: {  	_ =	shalt  }
0x5e: {  	_ =	shalt  }
0x5f: {  	_ =	shalt  }
0x60: {  	_ =	shalt  }
0x61: {  	_ =	shalt  }
0x62: {  	_ =	shalt  }
0x63: {  	_ =	shalt  }
0x64: {  	_ =	shalt  }
0x65: {  	_ =	shalt  }
0x66: {  	_ =	shalt  }
0x67: {  	_ =	shalt  }
0x68: {  	_ =	shalt  }
0x69: {  	_ =	shalt  }
0x6a: {  	_ =	shalt  }
0x6b: {  	_ =	shalt  }
0x6c: {  	_ =	shalt  }
0x6d: {  	_ =	shalt  }
0x6e: {  	_ =	shalt  }
0x6f: {  	_ =	shalt  }
0x70: {  	_ =	shalt  }
0x71: {  	_ =	shalt  }
0x72: {  	_ =	shalt  }
0x73: {  	_ =	shalt  }
0x74: {  	_ =	shalt  }
0x75: {  	_ =	shalt  }
0x76: {  	_ =	shalt  }
0x77: {  	_ =	shalt  }
0x78: {  	_ =	shalt  }
0x79: {  	_ =	shalt  }
0x7a: {  	_ =	shalt  }
0x7b: {  	_ =	shalt  }
0x7c: {  	_ =	shalt  }
0x7d: {  	_ =	shalt  }
0x7e: {  	_ =	shalt  }
0x7f: {  	_ =	shalt  }
0x80: {  	_ =	shalt  }
0x81: {  	_ =	shalt  }
0x82: {  	_ =	shalt  }
0x83: {  	_ =	shalt  }
0x84: {  	_ =	shalt  }
0x85: {  	_ =	shalt  }
0x86: {  	_ =	shalt  }
0x87: {  	_ =	shalt  }
.Lfunc_end0:
.L_simem_size_0:
called_computation.1_lowered:
.L_overlay_start_0:
0x88: {  	s2 =	sld [smem:$0x3FD9]  }
0x89: {  	s3 =	sld [smem:$0x3FFE];
	_ =	sdelay $0x1  }
0x8a: {  	s1 =	srdreg.scid  }
0x8b: {  	s0 =	sand.u32 $0x1, s1  }
0x8c: {  	s17 =	sshll.u32 s0, $0xA;
	s2 =	sadd.s32 s3, s2  }
0x8d: {  	s2 =	sadd.s32 s2, s17  }
0x8e: {  	[smem:$0x3FC6] =	sst s2  }
0x8f: {  	_ = 	snop  }
0x90: {  	s2 =	sld [smem:$0x3FD0];
	(tm) =	ssettm $0x1  }
0x91: {  	s18 =	sld [smem:$0x3FFB];
	_ =	sdelay $0x3  }
0x92: {  	_ =	strace s18  }
0x93: {  	s3 =	sld [smem:$0x3FFC];
	_ =	sdelay $0x3  }
0x94: {  	_ =	strace s3  }
0x95: {  	s3 =	sld [smem:$0x3FFD];
	_ =	sdelay $0x3  }
0x96: {  	_ =	strace s3  }
0x97: {  	_ =	strace $0x8FFFFFFF  }
0x98: {  	s19 =	sld [smem:$0x3FDB];
	_ =	sdelay $0x1  }
0x99: {  	s4 =	simm.s32 $_scs_section_size  }
0x9a: {  	s5 =	simm.s32 $_size__tile_overlayer_lowered;
	s6 =	simm.s32 $_tile_overlayer_lowered  }
0x9b: {  	s22 =	simm.s32 $0x1BFF;
	s21 =	sshll.u32 s6, $0x1;
	s3 =	sadd.s32 s4, s19  }
0x9c: {  	s7 =	simm.s32 $0x0;
	s20 =	sshll.u32 s5, $0x1;
	s5 =	sadd.s32 s21, s3  }
0x9d: {  	[timem:s7], [sflag:s22] =	dma.local [hbm:s5], s20  }
0x9e: {  	_ =	swait.ge [sflag:s22], s20  }
0x9f: {  	s4 =	ssub.s32 $0x0, s20;
	[sflag:s22] =	ssyncset.done $0x0  }
0xa0: {  	[sflag:s22] =	ssyncadd.s32 s4;
	_ =	sdelay $0x1  }
0xa1: {  	s23 =	simm.s32 $0x1B8B  }
0xa2: {  	_ =	swait.ge [sflag:s23], $0x1  }
0xa3: {  	[sflag:s23] =	ssyncset.done $0x0  }
0xa4: {  	s25 =	simm.s32 $0x1B8E;
	s24 =	sld [smem:$0x3FFE];
	[sflag:s23] =	ssyncadd.s32 $0xFFFFFFFF  }
0xa5: {  	s26 =	simm.s32 $execute0_lowered;
	[smem:$0x3FD2] =	sst s25  }
0xa6: {  	s5 =	sshll.u32 s26, $0x1;
	_ =	strace $0x80000049;
	[dreg:$0x1] =	wrdreg $0xFFFFFFFF  }
0xa7: {  	s28 =	simm.s32 $_size_execute0_lowered;
	s3 =	sadd.s32 s3, s5;
	[dreg:$0x0] =	wrdreg $0x0  }
0xa8: {  	s5 =	sshll.u32 s28, $0x1;
	[dreg:$0x2] =	wrdreg s3  }
0xa9: {  	[dreg:$0x3] =	wrdreg s5  }
0xaa: {  	[dreg:$0x4] =	wrdreg $0xC0  }
0xab: {  	_ =	task [dreg:s7], $0x5FFFF  }
0xac: {  	[dreg:$0x1] =	wrdreg $0xFFFFFFFF  }
0xad: {  	[dreg:$0x0] =	wrdreg $0x60  }
0xae: {  	[dreg:$0x2] =	wrdreg s24  }
0xaf: {  	[dreg:$0x3] =	wrdreg s2  }
0xb0: {  	[dreg:$0x4] =	wrdreg $0x9  }
0xb1: {  	_ =	task.clear_ibuf [dreg:s7], $0x5FFFF;
	_ =	strace $0x90000049  }
0xb2: {  	s29 =	simm.s32 $0x9;
	_ =	strace $0x8000004B  }
0xb3: {  	_ =	swait.ge [sflag:s29], $0x1  }
0xb4: {  	[sflag:s29] =	ssyncadd.s32 $0xFFFFFFFF  }
0xb5: {  	_ =	strace $0x9000004B  }
0xb6: {  	_ =	sfence  }
0xb7: {  	s30 =	sld [smem:$0x0];
	_ =	sdelay $0x2  }
0xb8: {  	s31 =	sshll.u32 s1, $0xD;
	s1 =	sshrl.u32 s1, $0x2  }
0xb9: {  	s3 =	sand.u32 $0x4000, s31;
	s1 =	sadd.s32 s1, s30  }
0xba: {  	s0 =	sor.u32 s3, s0;
	s1 =	sshll.u32 s1, $0x11  }
0xbb: {  	s0 =	sor.u32 s1, s0  }
0xbc: {  	s0 =	sadd.s32 $0x8F2B, s0  }
0xbd: {  	[sflag:s0] =	ssyncadd.remote.s32 $0x1  }
0xbe: {  	_ =	sfence.sel $0xFFFF  }
0xbf: {  	[dreg:$0x0] =	wrdreg $0xFFFFFFFF;
	(pc) =	sbr.abs _section_cstart, $3  }
0xc0: {  	[dreg:$0x1] =	wrdreg $0xFFFFFFFF  }
0xc1: {  	_ =	task.clear_ibuf [dreg:s7], $0x2FFFF;
	_ =	strace $0x9FFFFFFF  }
0xc2: {  	(tm) =	ssettm $0x7FFFFFFF  }
0xc3: {  	_ =	shalt  }
tec
execute0_lowered:
.L_overlay_start_1:
0x0: {  	(tag) =	ssettag $0x1  }
0x1: {  	s4 =	rddreg [dreg:$0x0];
	s1 =	srdreg.scid  }
0x2: {  	s0 =	stileid.u32;
	s2 =	rddreg [dreg:$0x1]  }
0x3: {  	s3 =	simm.s32 $0x0;
	s21 =	simm.s32 $0x1;
	s22 =	simm.s32 $0xD480  }
0x4: {  	s23 =	simm.s32 $0x2;
	s24 =	simm.s32 $0x3;
	s10 =	smul.u32 $0x32000, s0  }
0x5: {  	s25 =	simm.s32 $0x4;
	s15 =	sand.u32 $0x1, s1;
	s19 =	smul.u32 $0xC8000, s0  }
0x6: {  	s5 =	sshll.u32 s0, $0x1;
	[smem:$0x7FF] =	sst s3;
	s12 =	smul.u32 $0x19000, s15  }
0x7: {  	s5 =	sor.u32 s15, s5;
	s7 =	ssub.s32 $0x2, s15;
	s15 =	smul.u32 $0x64000, s15  }
0x8: {  	s16 =	sadd.s32 $0xA00, s4;
	s17 =	sadd.s32 $0x64A00, s4;
	s6 =	smul.u32 $0x19000, s5  }
0x9: {  	_ =	strace $0x8000004A;
	s26 =	sshrl.u32 s7, $0x1;
	s28 =	smul.u32 $0x64000, s5  }
0xa: {  	s19 =	sadd.s32 s19, s17;
	s7 =	ssub.s32 s7, s26;
	s18 =	sadd.s32 s12, s10  }
0xb: {  	s31 =	sadd.s32 s15, s19;
	s19 =	simm.s32 $0x640;
	s26 =	simm.s32 $0x0  }
0xc: {  	s8 =	sshrl.u32 s6, $0x3;
	s9 =	sor.u32 $0xC80, s6;
	s11 =	sshll.u32 s6, $0x2  }
0xd: {  	s6 =	smax.u32 s7, $0x1;
	s7 =	sadd.s32 s17, s28;
	s13 =	sadd.s32 $0x1F40, s18  }
0xe: {  	s20 =	sadd.s32 $0x1900, s18;
	s18 =	sshll.u32 s18, $0x2;
	s4 =	sadd.s32 s16, s8  }
0xf: {  	s29 =	sshrl.u32 s9, $0x3;
	s30 =	sadd.s32 s11, s17;
	s11 =	sadd.s32 $0x60E00, s7  }
0x10: {  	s14 =	sshrl.u32 s13, $0x3;
	s13 =	sadd.s32 $0x62700, s7;
	s20 =	sshrl.u32 s20, $0x3  }
0x11: {  	s17 =	sadd.s32 s17, s18;
	s18 =	simm.s32 $0x5;
	s5 =	sadd.s32 $0xC8, s4  }
0x12: {  	s8 =	sadd.s32 s16, s29;
	s9 =	sadd.s32 $0x1900, s30;
	s10 =	sadd.s32 $0x258, s4  }
0x13: {  	s12 =	sadd.s32 $0x3138, s4;
	s14 =	sadd.s32 s14, s16;
	s15 =	sadd.s32 s20, s16  }
0x14: {  	s16 =	sadd.s32 $0x4B00, s17;
	s17 =	sadd.s32 $0x3200, s31;
	s20 =	simm.s32 $0xC80  }
.LBB2_1:
0x15: {  	[tilespmem:s3], [sflag:$0x5] =	stream.linear.gather [hbm4b:s4+s3], $0x640, $0x38;
	[tilespmem:$0x19C80] =	vst v63  }
0x16: {  	_ =	swait.ge [sflag:s18], $0x640  }
0x17: {  	[sflag:s18] =	ssyncset.done $0x0  }
0x18: {  	[sflag:s18] =	ssyncadd.s32 $0xFFFFF9C0  }
0x19: {  	[tilespmem:s20], [sflag:$0x1] =	stream.indirect.gather [hbm4b:s2+s19], $0x20, s3, s19, $0xb8;
	[tilespmem:$0x19C80] =	vst v63  }
0x1a: {  	_ = 	snop  }
0x1b: {  	[tilespmem:s19], [sflag:$0x5] =	stream.linear.gather [hbm4b:s5+s3], $0x640, $0x38;
	[tilespmem:$0x19C80] =	vst v63  }
0x1c: {  	_ =	swait.ge [sflag:s18], $0x640  }
0x1d: {  	[sflag:s18] =	ssyncset.done $0x0  }
0x1e: {  	[sflag:s18] =	ssyncadd.s32 $0xFFFFF9C0  }
0x1f: {  	_ =	swait.ge [sflag:s21], $0xC800  }
0x20: {  	[sflag:s21] =	ssyncset.done $0x0  }
0x21: {  	[sflag:s21] =	ssyncadd.s32 $0xFFFF3800  }
0x22: {  	[hbm4b:s7+s3] =	stream.linear.scatter [tilespmem:s20], [sflag:$0x3], $0xC800, $0x38;
	[tilespmem:$0x19C80] =	vst v63  }
0x23: {  	_ = 	snop  }
0x24: {  	[tilespmem:s22], [sflag:$0x2] =	stream.indirect.gather [hbm4b:s2+s19], $0x20, s19, s19, $0xb8;
	[tilespmem:$0x19C80] =	vst v63  }
0x25: {  	_ = 	snop  }
0x26: {  	[tilespmem:s3], [sflag:$0x5] =	stream.linear.gather [hbm4b:s8+s3], $0x640, $0x38;
	[tilespmem:$0x19C80] =	vst v63  }
0x27: {  	_ =	swait.ge [sflag:s18], $0x640  }
0x28: {  	[sflag:s18] =	ssyncset.done $0x0  }
0x29: {  	[sflag:s18] =	ssyncadd.s32 $0xFFFFF9C0  }
0x2a: {  	_ =	swait.ge [sflag:s23], $0xC800  }
0x2b: {  	[sflag:s23] =	ssyncset.done $0x0  }
0x2c: {  	[sflag:s23] =	ssyncadd.s32 $0xFFFF3800  }
0x2d: {  	[hbm4b:s9+s3] =	stream.linear.scatter [tilespmem:s22], [sflag:$0x4], $0xC800, $0x38;
	[tilespmem:$0x19C80] =	vst v63  }
0x2e: {  	_ =	swait.ge [sflag:s24], $0xC800  }
0x2f: {  	[sflag:s24] =	ssyncset.done $0x0  }
0x30: {  	[sflag:s24] =	ssyncadd.s32 $0xFFFF3800  }
0x31: {  	[tilespmem:s20], [sflag:$0x1] =	stream.indirect.gather [hbm4b:s2+s19], $0x20, s3, s19, $0xb8;
	[tilespmem:$0x19C80] =	vst v63  }
0x32: {  	_ = 	snop  }
0x33: {  	[tilespmem:s19], [sflag:$0x5] =	stream.linear.gather [hbm4b:s10+s3], $0x640, $0x38;
	[tilespmem:$0x19C80] =	vst v63  }
0x34: {  	_ =	swait.ge [sflag:s18], $0x640  }
0x35: {  	[sflag:s18] =	ssyncset.done $0x0  }
0x36: {  	[sflag:s18] =	ssyncadd.s32 $0xFFFFF9C0  }
0x37: {  	_ =	swait.ge [sflag:s21], $0xC800  }
0x38: {  	[sflag:s21] =	ssyncset.done $0x0  }
0x39: {  	[sflag:s21] =	ssyncadd.s32 $0xFFFF3800  }
0x3a: {  	[hbm4b:s17+s3] =	stream.linear.scatter [tilespmem:s20], [sflag:$0x3], $0xC800, $0x38;
	[tilespmem:$0x19C80] =	vst v63  }
0x3b: {  	_ =	swait.ge [sflag:s25], $0xC800  }
0x3c: {  	[sflag:s25] =	ssyncset.done $0x0  }
0x3d: {  	[sflag:s25] =	ssyncadd.s32 $0xFFFF3800  }
0x3e: {  	[tilespmem:s22], [sflag:$0x2] =	stream.indirect.gather [hbm4b:s2+s19], $0x20, s19, s19, $0xb8;
	[tilespmem:$0x19C80] =	vst v63  }
0x3f: {  	s28 =	sadd.s32 $0x0, s15  }
0x40: {  	[tilespmem:s3], [sflag:$0x5] =	stream.linear.gather [hbm4b:s28+s3], $0x640, $0x38;
	[tilespmem:$0x19C80] =	vst v63  }
0x41: {  	_ =	swait.ge [sflag:s18], $0x640  }
0x42: {  	[sflag:s18] =	ssyncset.done $0x0  }
0x43: {  	[sflag:s18] =	ssyncadd.s32 $0xFFFFF9C0  }
0x44: {  	_ =	swait.ge [sflag:s23], $0xC800  }
0x45: {  	[sflag:s23] =	ssyncset.done $0x0  }
0x46: {  	[sflag:s23] =	ssyncadd.s32 $0xFFFF3800  }
0x47: {  	[hbm4b:s16+s3] =	stream.linear.scatter [tilespmem:s22], [sflag:$0x4], $0xC800, $0x38;
	[tilespmem:$0x19C80] =	vst v63  }
0x48: {  	_ =	swait.ge [sflag:s24], $0xC800  }
0x49: {  	[sflag:s24] =	ssyncset.done $0x0  }
0x4a: {  	[sflag:s24] =	ssyncadd.s32 $0xFFFF3800  }
0x4b: {  	[tilespmem:s20], [sflag:$0x1] =	stream.indirect.gather [hbm4b:s2+s19], $0x20, s3, s19, $0xb8;
	[tilespmem:$0x19C80] =	vst v63  }
0x4c: {  	s28 =	sadd.s32 $0x0, s14  }
0x4d: {  	[tilespmem:s19], [sflag:$0x5] =	stream.linear.gather [hbm4b:s28+s3], $0x640, $0x38;
	[tilespmem:$0x19C80] =	vst v63  }
0x4e: {  	s29 =	smov.u32 s16;
	_ =	swait.ge [sflag:s18], $0x640  }
0x4f: {  	s30 =	smov.u32 s17;
	s28 =	simm.s32 $0x190;
	[sflag:s18] =	ssyncset.done $0x0  }
.LBB2_2:
0x50: {  	[sflag:s18] =	ssyncadd.s32 $0xFFFFF9C0;
	s29 =	sadd.s32 $0x3200, s29;
	s30 =	sadd.s32 $0x3200, s30  }
0x51: {  	p0 =	sne.s32 s28, $0x2D50;
	s31 =	smov.u32 s28;
	s28 =	sadd.s32 $0x190, s28  }
0x52: {  	_ =	swait.ge [sflag:s21], $0xC800  }
0x53: {  	[sflag:s21] =	ssyncset.done $0x0  }
0x54: {  	[sflag:s21] =	ssyncadd.s32 $0xFFFF3800  }
0x55: {  	[hbm4b:s30+s3] =	stream.linear.scatter [tilespmem:s20], [sflag:$0x3], $0xC800, $0x38;
	[tilespmem:$0x19C80] =	vst v63  }
0x56: {  	_ =	swait.ge [sflag:s25], $0xC800  }
0x57: {  	[sflag:s25] =	ssyncset.done $0x0  }
0x58: {  	[sflag:s25] =	ssyncadd.s32 $0xFFFF3800  }
0x59: {  	[tilespmem:s22], [sflag:$0x2] =	stream.indirect.gather [hbm4b:s2+s19], $0x20, s19, s19, $0xb8;
	[tilespmem:$0x19C80] =	vst v63  }
0x5a: {  	s1 =	sadd.s32 s31, s15  }
0x5b: {  	[tilespmem:s3], [sflag:$0x5] =	stream.linear.gather [hbm4b:s1+s3], $0x640, $0x38;
	[tilespmem:$0x19C80] =	vst v63  }
0x5c: {  	_ =	swait.ge [sflag:s18], $0x640  }
0x5d: {  	[sflag:s18] =	ssyncset.done $0x0  }
0x5e: {  	[sflag:s18] =	ssyncadd.s32 $0xFFFFF9C0  }
0x5f: {  	_ =	swait.ge [sflag:s23], $0xC800  }
0x60: {  	[sflag:s23] =	ssyncset.done $0x0  }
0x61: {  	[sflag:s23] =	ssyncadd.s32 $0xFFFF3800  }
0x62: {  	[hbm4b:s29+s3] =	stream.linear.scatter [tilespmem:s22], [sflag:$0x4], $0xC800, $0x38;
	[tilespmem:$0x19C80] =	vst v63  }
0x63: {  	_ =	swait.ge [sflag:s24], $0xC800  }
0x64: {  	[sflag:s24] =	ssyncset.done $0x0  }
0x65: {  	[sflag:s24] =	ssyncadd.s32 $0xFFFF3800  }
0x66: {  	[tilespmem:s20], [sflag:$0x1] =	stream.indirect.gather [hbm4b:s2+s19], $0x20, s3, s19, $0xb8;
	[tilespmem:$0x19C80] =	vst v63  }
.Ltmp0:
0x67: {  	_ = 	snop;
	(pc) =	sbr.rel @p0 .LBB2_2-.Ltmp0, $4  }
0x68: {  	s1 =	sadd.s32 s31, s14  }
0x69: {  	[tilespmem:s19], [sflag:$0x5] =	stream.linear.gather [hbm4b:s1+s3], $0x640, $0x38;
	[tilespmem:$0x19C80] =	vst v63  }
0x6a: {  	_ =	swait.ge [sflag:s18], $0x640  }
0x6b: {  	[sflag:s18] =	ssyncset.done $0x0  }
0x6c: {  	[sflag:s18] =	ssyncadd.s32 $0xFFFFF9C0  }
0x6d: {  	_ =	swait.ge [sflag:s21], $0xC800  }
0x6e: {  	[sflag:s21] =	ssyncset.done $0x0  }
0x6f: {  	[sflag:s21] =	ssyncadd.s32 $0xFFFF3800  }
0x70: {  	[hbm4b:s11+s3] =	stream.linear.scatter [tilespmem:s20], [sflag:$0x3], $0xC800, $0x38;
	[tilespmem:$0x19C80] =	vst v63  }
0x71: {  	_ =	swait.ge [sflag:s25], $0xC800  }
0x72: {  	[sflag:s25] =	ssyncset.done $0x0  }
0x73: {  	[sflag:s25] =	ssyncadd.s32 $0xFFFF3800  }
0x74: {  	[tilespmem:s22], [sflag:$0x2] =	stream.indirect.gather [hbm4b:s2+s19], $0x20, s19, s19, $0xb8;
	[tilespmem:$0x19C80] =	vst v63  }
0x75: {  	_ = 	snop  }
0x76: {  	[tilespmem:s3], [sflag:$0x5] =	stream.linear.gather [hbm4b:s12+s3], $0x640, $0x38;
	[tilespmem:$0x19C80] =	vst v63  }
0x77: {  	_ =	swait.ge [sflag:s18], $0x640  }
0x78: {  	[sflag:s18] =	ssyncset.done $0x0  }
0x79: {  	[sflag:s18] =	ssyncadd.s32 $0xFFFFF9C0  }
0x7a: {  	_ =	swait.ge [sflag:s23], $0xC800  }
0x7b: {  	[sflag:s23] =	ssyncset.done $0x0  }
0x7c: {  	[sflag:s23] =	ssyncadd.s32 $0xFFFF3800  }
0x7d: {  	[hbm4b:s13+s3] =	stream.linear.scatter [tilespmem:s22], [sflag:$0x4], $0xC800, $0x38;
	[tilespmem:$0x19C80] =	vst v63  }
0x7e: {  	_ =	swait.ge [sflag:s24], $0xC800  }
0x7f: {  	[sflag:s24] =	ssyncset.done $0x0  }
0x80: {  	s26 =	sadd.s32 $0x1, s26;
	[sflag:s24] =	ssyncadd.s32 $0xFFFF3800  }
0x81: {  	[tilespmem:s19], [sflag:$0x5] =	stream.linear.gather [hbm4b:s12+s3], $0x640, $0x38;
	[tilespmem:$0x19C80] =	vst v63  }
0x82: {  	p0 =	sne.s32 s26, s6;
	_ =	swait.ge [sflag:s18], $0x640  }
.Ltmp1:
0x83: {  	[sflag:s18] =	ssyncset.done $0x0;
	(pc) =	sbr.rel @p0 .LBB2_1-.Ltmp1, $4  }
0x84: {  	[sflag:s18] =	ssyncadd.s32 $0xFFFFF9C0  }
0x85: {  	_ =	swait.ge [sflag:s25], $0xC800  }
0x86: {  	[sflag:s25] =	ssyncset.done $0x0  }
0x87: {  	[sflag:s25] =	ssyncadd.s32 $0xFFFF3800  }
0x88: {  	_ =	sfence.sel $0x180000  }
0x89: {  	[bflag:$0x0] =	sbarrier.arrive $0xFFFF  }
0x8a: {  	_ =	strace $0x9000004A  }
0x8b: {  	[bflag:$0x2] =	sbarrier.arrive $0xFFFF  }
0x8c: {  	p0 =	sne.s32 s0, $0x0;
	s0 =	rddreg [dreg:$0x2]  }
0x8d: {  	s0 =	sadd.s32 @!p0 $0x100000, s0  }
0x8e: {  	[sflag:s0] =	ssyncadd.tile.s32 @!p0 $0x1;
	_ =	shalt  }
.Lfunc_end2:
_tile_overlayer_lowered:
.L_overlay_start_2:
0x8f: {  	(tag) =	ssettag $0x2  }
0x90: {  	s0 =	rddreg [dreg:$0x0];
	s2 =	stileid.u32  }
0x91: {  	s1 =	rddreg [dreg:$0x1];
	p0 =	sne.s32 s2, $0x0  }
0x92: {  	s3 =	rddreg [dreg:$0x2];
	[bflag:$0x3] =	sbarrier.arrive $0xFFFF;
	s2 =	simm.s32 @!p0 $0x1C05  }
0x93: {  	[timem:s3], [sflag:s2] =	dma.local @!p0 [hbm:s0], s1  }
0x94: {  	s0 =	simm.s32 @!p0 $0x5  }
0x95: {  	_ =	swait.ge @!p0 [sflag:s0], s1  }
0x96: {  	s1 =	ssub.s32 @!p0 $0x0, s1;
	[sflag:s0] =	ssyncset.done @!p0 $0x0  }
0x97: {  	[sflag:s0] =	ssyncadd.s32 @!p0 s1  }
0x98: {  	[bflag:$0x3] =	sbarrier.arrive $0xFFFF  }
0x99: {  	_ =	shalt  }

</sc_bundles>
